<compile_context>
chip_gen: v7x
topology: tpu7x:2x2x1
jax: 0.10.2.dev20260603
libtpu: 0.0.44.dev20260713+nightly
codegen_flags: <defaults>
</compile_context>

<pallas_src>
import functools

import jax
import jax.numpy as jnp
from jax import lax
from jax.experimental import pallas as pl
from jax.experimental.pallas import tpu as pltpu
from jax.experimental.pallas import tpu_sc as plsc

N = 10000
E = 320000
D = 128
NUM_BASIS = 16

NW = 32
EPW = E // NW
C = 80
NCH = EPW // C
NBLK = 5
CPB = NCH // NBLK

RPT = 640
LAST = N - 15 * RPT

BE = 6400
BN = 2000


def _radial_body(rbft_ref, w1_ref, b1_ref, w2_ref, b2_ref, out_ref):
    h = jax.lax.dot_general(
        rbft_ref[...], w1_ref[...], (((0,), (0,)), ((), ())),
        preferred_element_type=jnp.float32)
    h = h + b1_ref[...]
    h = h * jax.nn.sigmoid(h)
    out_ref[...] = (
        jnp.dot(h, w2_ref[...], preferred_element_type=jnp.float32) + b2_ref[...]
    )


def _radial(edge_rbf, W1, b1, W2, b2):
    grid = (E // BE,)
    return pl.pallas_call(
        _radial_body,
        grid=grid,
        in_specs=[
            pl.BlockSpec((NUM_BASIS, BE), lambda i: (0, i)),
            pl.BlockSpec((NUM_BASIS, D), lambda i: (0, 0)),
            pl.BlockSpec((1, D), lambda i: (0, 0)),
            pl.BlockSpec((D, D), lambda i: (0, 0)),
            pl.BlockSpec((1, D), lambda i: (0, 0)),
        ],
        out_specs=pl.BlockSpec((BE, D), lambda i: (i, 0)),
        out_shape=jax.ShapeDtypeStruct((E, D), jnp.float32),
    )(edge_rbf.T, W1, b1.reshape(1, D), W2, b2.reshape(1, D))


def _sc_body(col_hbm, row_hbm, nf_hbm, w_hbm, zeros_hbm, out_hbm,
             col_v, row_v, rows0_v, rows1_v, wts_v, agg_sh, sem0, sem1):
    cid = lax.axis_index("c")
    sid = lax.axis_index("s")
    wid = cid * 16 + sid

    @pl.when(sid < 15)
    def _():
        pltpu.sync_copy(zeros_hbm, agg_sh.at[pl.ds(sid * RPT, RPT)])

    @pl.when(sid == 15)
    def _():
        pltpu.sync_copy(zeros_hbm.at[pl.ds(0, LAST)],
                        agg_sh.at[pl.ds(15 * RPT, LAST)])

    plsc.subcore_barrier()

    bufs = (rows0_v, rows1_v)
    sems = (sem0, sem1)

    def block_body(b, carry):
        pltpu.sync_copy(col_hbm.at[wid, b], col_v)
        pltpu.sync_copy(row_hbm.at[wid, b], row_v)

        wbase = wid * EPW + b * CPB * C

        def chunk_body(t, c1):
            gcopy = pltpu.async_copy(nf_hbm.at[col_v.at[t]], rows0_v, sem0)
            pltpu.sync_copy(w_hbm.at[pl.ds(wbase + t * C, C)], wts_v)
            gcopy.wait()

            @plsc.parallel_loop(0, C, unroll=4)
            def _(e):
                for q in range(D // 16):
                    s = pl.ds(q * 16, 16)
                    rows0_v[e, s] = rows0_v[e, s] * wts_v[e, s]
            pltpu.sync_copy(rows0_v, agg_sh.at[row_v.at[t]], add=True)
            return c1

        lax.fori_loop(0, CPB, chunk_body, 0)
        return carry

    lax.fori_loop(0, NBLK, block_body, 0)
    plsc.subcore_barrier()

    @pl.when(sid < 15)
    def _():
        pltpu.sync_copy(agg_sh.at[pl.ds(sid * RPT, RPT)],
                        out_hbm.at[cid, pl.ds(sid * RPT, RPT)])

    @pl.when(sid == 15)
    def _():
        pltpu.sync_copy(agg_sh.at[pl.ds(15 * RPT, LAST)],
                        out_hbm.at[cid, pl.ds(15 * RPT, LAST)])


def _sc_aggregate(col_r, row_r, node_feats, weights, zeros):
    mesh = plsc.VectorSubcoreMesh(core_axis_name="c", subcore_axis_name="s")
    f = functools.partial(
        pl.kernel,
        mesh=mesh,
        out_type=jax.ShapeDtypeStruct((2, N, D), jnp.float32),
        scratch_types=[
            pltpu.VMEM((CPB, C), jnp.int32),
            pltpu.VMEM((CPB, C), jnp.int32),
            pltpu.VMEM((C, D), jnp.float32),
            pltpu.VMEM((C, D), jnp.float32),
            pltpu.VMEM((C, D), jnp.float32),
            pltpu.VMEM_SHARED((N, D), jnp.float32),
            pltpu.SemaphoreType.DMA,
            pltpu.SemaphoreType.DMA,
        ],
    )(_sc_body)
    return f(col_r, row_r, node_feats, weights, zeros)


def _epilogue_body(nf_ref, p_ref, wself_ref, bself_ref, wc1_ref, wc2_ref,
                   bcat_ref, out_ref):
    nf = nf_ref[...]
    self_out = (
        jnp.dot(nf, wself_ref[...], preferred_element_type=jnp.float32)
        + bself_ref[...]
    )
    agg = p_ref[0] + p_ref[1]
    out_ref[...] = (
        jnp.dot(self_out, wc1_ref[...], preferred_element_type=jnp.float32)
        + jnp.dot(agg, wc2_ref[...], preferred_element_type=jnp.float32)
        + bcat_ref[...]
    )


def _epilogue(node_feats, partial, W_self, b_self, W_cat, b_cat):
    grid = (N // BN,)
    return pl.pallas_call(
        _epilogue_body,
        grid=grid,
        in_specs=[
            pl.BlockSpec((BN, D), lambda i: (i, 0)),
            pl.BlockSpec((2, BN, D), lambda i: (0, i, 0)),
            pl.BlockSpec((D, D), lambda i: (0, 0)),
            pl.BlockSpec((1, D), lambda i: (0, 0)),
            pl.BlockSpec((D, D), lambda i: (0, 0)),
            pl.BlockSpec((D, D), lambda i: (0, 0)),
            pl.BlockSpec((1, D), lambda i: (0, 0)),
        ],
        out_specs=pl.BlockSpec((BN, D), lambda i: (i, 0)),
        out_shape=jax.ShapeDtypeStruct((N, D), jnp.float32),
    )(node_feats, partial, W_self, b_self.reshape(1, D), W_cat[:D],
      W_cat[D:], b_cat.reshape(1, D))


def kernel(node_feats, edge_index, edge_rbf, edge_sh, W1, b1, W2, b2,
           W_self, b_self, W_cat, b_cat):
    del edge_sh
    weights = _radial(edge_rbf, W1, b1, W2, b2)
    row_r = edge_index[0].astype(jnp.int32).reshape(NW, NBLK, CPB, C)
    col_r = edge_index[1].astype(jnp.int32).reshape(NW, NBLK, CPB, C)
    zeros = jnp.zeros((RPT, D), jnp.float32)
    partial = _sc_aggregate(col_r, row_r, node_feats, weights, zeros)
    return _epilogue(node_feats, partial, W_self, b_self, W_cat, b_cat)

# --- scband reference (transcript-rebuilt; emitter-appended) ---
"""Pipeline reference for scband-tensor-product-conv-7275674599677 (READ-ONLY COPY).

The authoritative reference and input builder live on the scoring server;
editing this copy changes nothing except your own understanding.
"""

import jax, jax.numpy as jnp
import numpy as np

N = 10000
E = 320000
NODE_DIM = 128
EDGE_DIM = 128
NUM_BASIS = 16
LMAX = 0
NUM_SH = (LMAX + 1) ** 2


def setup_inputs(seed: int = 0):
    key = jax.random.key(seed)
    ks = jax.random.split(key, 12)
    node_feats = jax.random.normal(ks[0], (N, NODE_DIM), dtype=jnp.float32)
    edge_index = jax.random.randint(ks[1], (2, E), 0, N)
    edge_rbf = jax.random.normal(ks[2], (E, NUM_BASIS), dtype=jnp.float32)
    edge_sh = jax.random.normal(ks[3], (E, NUM_SH), dtype=jnp.float32)
    # radial_net: Linear(num_basis, edge_dim) -> SiLU -> Linear(edge_dim, node_dim*(lmax+1))
    W1 = jax.random.normal(ks[4], (NUM_BASIS, EDGE_DIM), dtype=jnp.float32) / np.sqrt(NUM_BASIS)
    b1 = jnp.zeros((EDGE_DIM,), dtype=jnp.float32)
    W2 = jax.random.normal(ks[5], (EDGE_DIM, NODE_DIM * (LMAX + 1)), dtype=jnp.float32) / np.sqrt(EDGE_DIM)
    b2 = jnp.zeros((NODE_DIM * (LMAX + 1),), dtype=jnp.float32)
    # self_int: Linear(node_dim, node_dim)
    W_self = jax.random.normal(ks[6], (NODE_DIM, NODE_DIM), dtype=jnp.float32) / np.sqrt(NODE_DIM)
    b_self = jnp.zeros((NODE_DIM,), dtype=jnp.float32)
    # concat_proj: Linear(node_dim*(lmax+2), node_dim)
    W_cat = jax.random.normal(ks[7], (NODE_DIM * (LMAX + 2), NODE_DIM), dtype=jnp.float32) / np.sqrt(NODE_DIM * (LMAX + 2))
    b_cat = jnp.zeros((NODE_DIM,), dtype=jnp.float32)
    return {"node_feats": node_feats, "edge_index": edge_index, "edge_rbf": edge_rbf,
            "edge_sh": edge_sh, "W1": W1, "b1": b1, "W2": W2, "b2": b2,
            "W_self": W_self, "b_self": b_self, "W_cat": W_cat, "b_cat": b_cat}


def reference(node_feats, edge_index, edge_rbf, edge_sh, W1, b1, W2, b2, W_self, b_self, W_cat, b_cat):
    row = edge_index[0]
    col = edge_index[1]
    # radial_net
    h = jnp.dot(edge_rbf, W1) + b1
    h = jax.nn.silu(h)
    weights = jnp.dot(h, W2) + b2  # [E, node_dim*(lmax+1)]
    # gather source node features
    node_j = jnp.take(node_feats, col, axis=0)  # [E, node_dim]
    messages = node_j[:, :, None] * weights.reshape(-1, NODE_DIM, LMAX + 1)
    messages = messages.sum(axis=-1)  # [E, node_dim]
    # scatter-add into destination nodes
    aggregated = jnp.zeros_like(node_feats).at[row].add(messages)
    self_out = jnp.dot(node_feats, W_self) + b_self
    combined = jnp.concatenate([self_out, aggregated], axis=-1)
    out = jnp.dot(combined, W_cat) + b_cat
    return out

if __name__ == "__main__":
    import jax
    _d = setup_inputs()
    print(jax.jit(kernel)(*tuple(_d.values())))

</pallas_src>

<mosaic_0001>
#map = affine_map<(d0, d1) -> (0, 0, 0, 0)>
#map1 = affine_map<(d0, d1) -> (0, 0)>
#map2 = affine_map<(d0, d1) -> (0, 0, 0)>
module attributes {stable_mosaic.version = 14 : i64} {
  func.func @_sc_body(%arg0: i32, %arg1: i32, %arg2: memref<32x5x25x80xi32, #tpu.memory_space<hbm>>, %arg3: memref<32x5x25x80xi32, #tpu.memory_space<hbm>>, %arg4: memref<10000x128xf32, #tpu.memory_space<hbm>>, %arg5: memref<320000x128xf32, #tpu.memory_space<hbm>>, %arg6: memref<640x128xf32, #tpu.memory_space<hbm>>, %arg7: memref<2x10000x128xf32, #tpu.memory_space<hbm>>, %arg8: memref<25x80xi32, #tpu.memory_space<vmem>>, %arg9: memref<25x80xi32, #tpu.memory_space<vmem>>, %arg10: memref<80x128xf32, #tpu.memory_space<vmem>>, %arg11: memref<80x128xf32, #tpu.memory_space<vmem>>, %arg12: memref<80x128xf32, #tpu.memory_space<vmem>>, %arg13: memref<10000x128xf32, #tpu.memory_space<vmem_shared>>, %arg14: memref<!tpu.dma_semaphore, #tpu.memory_space<semaphore_mem>>, %arg15: memref<!tpu.dma_semaphore, #tpu.memory_space<semaphore_mem>>) attributes {dimension_semantics = [#tpu.dimension_semantics<core_parallel>, #tpu.dimension_semantics<subcore_parallel>], iteration_bounds = array<i64: 2, 16>, scalar_prefetch = 0 : i64, scratch_operands = 8 : i64, tpu.core_type = #tpu.core_type<sc_vector_subcore>, window_params = [{transform_indices = #map}, {transform_indices = #map}, {transform_indices = #map1}, {transform_indices = #map1}, {transform_indices = #map1}, {transform_indices = #map2}]} {
    %mul3A = arith.constant 16 : i32
    %mul3A_0 = arith.muli %arg0, %mul3A : i32
    %add3A = arith.addi %mul3A_0, %arg1 : i32
    %lt3A = arith.constant 15 : i32
    %lt3A_1 = arith.cmpi slt, %arg1, %lt3A : i32
    %convert_element_type3A = arith.extui %lt3A_1 : i1 to i32
    %cond3A = arith.constant 0 : i32
    %cond3A_2 = arith.cmpi ne, %convert_element_type3A, %cond3A : i32
    scf.if %cond3A_2 {
      %mul3A_23 = arith.constant 640 : i32
      %mul3A_24 = arith.muli %arg1, %mul3A_23 : i32
      "tpu.region"() ({
        %run_scoped3A = tpu.sem_alloc : memref<!tpu.dma_semaphore, #tpu.memory_space<semaphore_mem>>
        %dma_start3A = arith.constant 0 : i32
        %dma_start3A_25 = tpu.memref_slice %arg13[%mul3A_24, %dma_start3A] : memref<10000x128xf32, #tpu.memory_space<vmem_shared>> -> memref<640x128xf32, #tpu.memory_space<vmem_shared>>
        tpu.enqueue_dma source(%arg6 : memref<640x128xf32, #tpu.memory_space<hbm>>) target(%dma_start3A_25 : memref<640x128xf32, #tpu.memory_space<vmem_shared>>) target_semaphore(%run_scoped3A : memref<!tpu.dma_semaphore, #tpu.memory_space<semaphore_mem>>)
        %dma_wait3A = arith.constant 0 : i32
        %dma_wait3A_26 = tpu.memref_slice %arg13[%mul3A_24, %dma_wait3A] : memref<10000x128xf32, #tpu.memory_space<vmem_shared>> -> memref<640x128xf32, #tpu.memory_space<vmem_shared>>
        tpu.wait_dma2 semaphore(%run_scoped3A : memref<!tpu.dma_semaphore, #tpu.memory_space<semaphore_mem>>) src(%arg6 : memref<640x128xf32, #tpu.memory_space<hbm>>) dst(%dma_wait3A_26 : memref<640x128xf32, #tpu.memory_space<vmem_shared>>)
        tpu.yield
      }) : () -> ()
    } else {
    }
    %eq3A = arith.constant 15 : i32
    %eq3A_3 = arith.cmpi eq, %arg1, %eq3A : i32
    %convert_element_type3A_4 = arith.extui %eq3A_3 : i1 to i32
    %cond3A_5 = arith.constant 0 : i32
    %cond3A_6 = arith.cmpi ne, %convert_element_type3A_4, %cond3A_5 : i32
    scf.if %cond3A_6 {
      "tpu.region"() ({
        %run_scoped3A = tpu.sem_alloc : memref<!tpu.dma_semaphore, #tpu.memory_space<semaphore_mem>>
        %dma_start3A = arith.constant 9600 : i32
        %dma_start3A_23 = arith.constant 0 : i32
        %dma_start3A_24 = tpu.memref_slice %arg13[%dma_start3A, %dma_start3A_23] : memref<10000x128xf32, #tpu.memory_space<vmem_shared>> -> memref<400x128xf32, #tpu.memory_space<vmem_shared>>
        %dma_start3A_25 = arith.constant 0 : i32
        %dma_start3A_26 = arith.constant 0 : i32
        %dma_start3A_27 = tpu.memref_slice %arg6[%dma_start3A_25, %dma_start3A_26] : memref<640x128xf32, #tpu.memory_space<hbm>> -> memref<400x128xf32, #tpu.memory_space<hbm>>
        tpu.enqueue_dma source(%dma_start3A_27 : memref<400x128xf32, #tpu.memory_space<hbm>>) target(%dma_start3A_24 : memref<400x128xf32, #tpu.memory_space<vmem_shared>>) target_semaphore(%run_scoped3A : memref<!tpu.dma_semaphore, #tpu.memory_space<semaphore_mem>>)
        %dma_wait3A = arith.constant 9600 : i32
        %dma_wait3A_28 = arith.constant 0 : i32
        %dma_wait3A_29 = tpu.memref_slice %arg13[%dma_wait3A, %dma_wait3A_28] : memref<10000x128xf32, #tpu.memory_space<vmem_shared>> -> memref<400x128xf32, #tpu.memory_space<vmem_shared>>
        %dma_wait3A_30 = arith.constant 0 : i32
        %dma_wait3A_31 = arith.constant 0 : i32
        %dma_wait3A_32 = tpu.memref_slice %arg6[%dma_wait3A_30, %dma_wait3A_31] : memref<640x128xf32, #tpu.memory_space<hbm>> -> memref<400x128xf32, #tpu.memory_space<hbm>>
        tpu.wait_dma2 semaphore(%run_scoped3A : memref<!tpu.dma_semaphore, #tpu.memory_space<semaphore_mem>>) src(%dma_wait3A_32 : memref<400x128xf32, #tpu.memory_space<hbm>>) dst(%dma_wait3A_29 : memref<400x128xf32, #tpu.memory_space<vmem_shared>>)
        tpu.yield
      }) : () -> ()
    } else {
    }
    %barrier3A = arith.constant 0 : index
    tpu.barrier barrier_id(%barrier3A)
    %scan3A = arith.constant 0 : i32
    %scan3A_7 = arith.constant 0 : i32
    %scan3A_8 = arith.constant 5 : i32
    %scan3A_9 = arith.addi %scan3A_7, %scan3A_8 : i32
    %scan3A_10 = arith.constant 1 : i32
    scf.for %scan3A_23 = %scan3A_7 to %scan3A_9 step %scan3A_10  : i32 {
      "tpu.region"() ({
        %run_scoped3A = tpu.sem_alloc : memref<!tpu.dma_semaphore, #tpu.memory_space<semaphore_mem>>
        %dma_start3A = arith.constant 0 : i32
        %dma_start3A_37 = arith.constant 0 : i32
        %dma_start3A_38 = tpu.memref_slice %arg2[%add3A, %scan3A_23, %dma_start3A, %dma_start3A_37] : memref<32x5x25x80xi32, #tpu.memory_space<hbm>> -> memref<1x1x25x80xi32, #tpu.memory_space<hbm>>
        %dma_start3A_39 = tpu.memref_squeeze %dma_start3A_38 : memref<1x1x25x80xi32, #tpu.memory_space<hbm>> -> memref<25x80xi32, #tpu.memory_space<hbm>>
        %dma_start3A_40 = arith.constant 0 : i32
        %dma_start3A_41 = arith.constant 0 : i32
        %dma_start3A_42 = tpu.memref_slice %arg2[%add3A, %scan3A_23, %dma_start3A_40, %dma_start3A_41] : memref<32x5x25x80xi32, #tpu.memory_space<hbm>> -> memref<1x1x25x80xi32, #tpu.memory_space<hbm>>
        %dma_start3A_43 = tpu.memref_squeeze %dma_start3A_42 : memref<1x1x25x80xi32, #tpu.memory_space<hbm>> -> memref<25x80xi32, #tpu.memory_space<hbm>>
        tpu.enqueue_dma source(%dma_start3A_43 : memref<25x80xi32, #tpu.memory_space<hbm>>) target(%arg8 : memref<25x80xi32, #tpu.memory_space<vmem>>) target_semaphore(%run_scoped3A : memref<!tpu.dma_semaphore, #tpu.memory_space<semaphore_mem>>)
        %dma_wait3A = arith.constant 0 : i32
        %dma_wait3A_44 = arith.constant 0 : i32
        %dma_wait3A_45 = tpu.memref_slice %arg2[%add3A, %scan3A_23, %dma_wait3A, %dma_wait3A_44] : memref<32x5x25x80xi32, #tpu.memory_space<hbm>> -> memref<1x1x25x80xi32, #tpu.memory_space<hbm>>
        %dma_wait3A_46 = tpu.memref_squeeze %dma_wait3A_45 : memref<1x1x25x80xi32, #tpu.memory_space<hbm>> -> memref<25x80xi32, #tpu.memory_space<hbm>>
        %dma_wait3A_47 = arith.constant 0 : i32
        %dma_wait3A_48 = arith.constant 0 : i32
        %dma_wait3A_49 = tpu.memref_slice %arg2[%add3A, %scan3A_23, %dma_wait3A_47, %dma_wait3A_48] : memref<32x5x25x80xi32, #tpu.memory_space<hbm>> -> memref<1x1x25x80xi32, #tpu.memory_space<hbm>>
        %dma_wait3A_50 = tpu.memref_squeeze %dma_wait3A_49 : memref<1x1x25x80xi32, #tpu.memory_space<hbm>> -> memref<25x80xi32, #tpu.memory_space<hbm>>
        tpu.wait_dma2 semaphore(%run_scoped3A : memref<!tpu.dma_semaphore, #tpu.memory_space<semaphore_mem>>) src(%dma_wait3A_50 : memref<25x80xi32, #tpu.memory_space<hbm>>) dst(%arg8 : memref<25x80xi32, #tpu.memory_space<vmem>>)
        tpu.yield
      }) : () -> ()
      "tpu.region"() ({
        %run_scoped3A = tpu.sem_alloc : memref<!tpu.dma_semaphore, #tpu.memory_space<semaphore_mem>>
        %dma_start3A = arith.constant 0 : i32
        %dma_start3A_37 = arith.constant 0 : i32
        %dma_start3A_38 = tpu.memref_slice %arg3[%add3A, %scan3A_23, %dma_start3A, %dma_start3A_37] : memref<32x5x25x80xi32, #tpu.memory_space<hbm>> -> memref<1x1x25x80xi32, #tpu.memory_space<hbm>>
        %dma_start3A_39 = tpu.memref_squeeze %dma_start3A_38 : memref<1x1x25x80xi32, #tpu.memory_space<hbm>> -> memref<25x80xi32, #tpu.memory_space<hbm>>
        %dma_start3A_40 = arith.constant 0 : i32
        %dma_start3A_41 = arith.constant 0 : i32
        %dma_start3A_42 = tpu.memref_slice %arg3[%add3A, %scan3A_23, %dma_start3A_40, %dma_start3A_41] : memref<32x5x25x80xi32, #tpu.memory_space<hbm>> -> memref<1x1x25x80xi32, #tpu.memory_space<hbm>>
        %dma_start3A_43 = tpu.memref_squeeze %dma_start3A_42 : memref<1x1x25x80xi32, #tpu.memory_space<hbm>> -> memref<25x80xi32, #tpu.memory_space<hbm>>
        tpu.enqueue_dma source(%dma_start3A_43 : memref<25x80xi32, #tpu.memory_space<hbm>>) target(%arg9 : memref<25x80xi32, #tpu.memory_space<vmem>>) target_semaphore(%run_scoped3A : memref<!tpu.dma_semaphore, #tpu.memory_space<semaphore_mem>>)
        %dma_wait3A = arith.constant 0 : i32
        %dma_wait3A_44 = arith.constant 0 : i32
        %dma_wait3A_45 = tpu.memref_slice %arg3[%add3A, %scan3A_23, %dma_wait3A, %dma_wait3A_44] : memref<32x5x25x80xi32, #tpu.memory_space<hbm>> -> memref<1x1x25x80xi32, #tpu.memory_space<hbm>>
        %dma_wait3A_46 = tpu.memref_squeeze %dma_wait3A_45 : memref<1x1x25x80xi32, #tpu.memory_space<hbm>> -> memref<25x80xi32, #tpu.memory_space<hbm>>
        %dma_wait3A_47 = arith.constant 0 : i32
        %dma_wait3A_48 = arith.constant 0 : i32
        %dma_wait3A_49 = tpu.memref_slice %arg3[%add3A, %scan3A_23, %dma_wait3A_47, %dma_wait3A_48] : memref<32x5x25x80xi32, #tpu.memory_space<hbm>> -> memref<1x1x25x80xi32, #tpu.memory_space<hbm>>
        %dma_wait3A_50 = tpu.memref_squeeze %dma_wait3A_49 : memref<1x1x25x80xi32, #tpu.memory_space<hbm>> -> memref<25x80xi32, #tpu.memory_space<hbm>>
        tpu.wait_dma2 semaphore(%run_scoped3A : memref<!tpu.dma_semaphore, #tpu.memory_space<semaphore_mem>>) src(%dma_wait3A_50 : memref<25x80xi32, #tpu.memory_space<hbm>>) dst(%arg9 : memref<25x80xi32, #tpu.memory_space<vmem>>)
        tpu.yield
      }) : () -> ()
      %mul3A_24 = arith.constant 10000 : i32
      %mul3A_25 = arith.muli %add3A, %mul3A_24 : i32
      %mul3A_26 = arith.constant 25 : i32
      %mul3A_27 = arith.muli %scan3A_23, %mul3A_26 : i32
      %mul3A_28 = arith.constant 80 : i32
      %mul3A_29 = arith.muli %mul3A_27, %mul3A_28 : i32
      %add3A_30 = arith.addi %mul3A_25, %mul3A_29 : i32
      %scan3A_31 = arith.constant 0 : i32
      %scan3A_32 = arith.constant 0 : i32
      %scan3A_33 = arith.constant 25 : i32
      %scan3A_34 = arith.addi %scan3A_32, %scan3A_33 : i32
      %scan3A_35 = arith.constant 1 : i32
      scf.for %scan3A_37 = %scan3A_32 to %scan3A_34 step %scan3A_35  : i32 {
        %dma_start3A = arith.constant 0 : i32
        %dma_start3A_38 = tpu.memref_slice %arg8[%scan3A_37, %dma_start3A] : memref<25x80xi32, #tpu.memory_space<vmem>> -> memref<1x80xi32, #tpu.memory_space<vmem>>
        %dma_start3A_39 = tpu.memref_squeeze %dma_start3A_38 : memref<1x80xi32, #tpu.memory_space<vmem>> -> memref<80xi32, #tpu.memory_space<vmem>>
        %dma_start3A_40 = arith.constant 0 : i32
        %dma_start3A_41 = arith.constant 0 : i32
        %dma_start3A_42 = tpu.memref_slice %arg4[%dma_start3A_40, %dma_start3A_41] : memref<10000x128xf32, #tpu.memory_space<hbm>> -> memref<10000x128xf32, #tpu.memory_space<hbm>>
        tpu.enqueue_indirect_dma source(%dma_start3A_42 : memref<10000x128xf32, #tpu.memory_space<hbm>>) target(%arg10 : memref<80x128xf32, #tpu.memory_space<vmem>>) offsets(%dma_start3A_39 : memref<80xi32, #tpu.memory_space<vmem>>) semaphore(%arg14 : memref<!tpu.dma_semaphore, #tpu.memory_space<semaphore_mem>>)
        %mul3A_43 = arith.constant 80 : i32
        %mul3A_44 = arith.muli %scan3A_37, %mul3A_43 : i32
        %add3A_45 = arith.addi %add3A_30, %mul3A_44 : i32
        "tpu.region"() ({
          %run_scoped3A = tpu.sem_alloc : memref<!tpu.dma_semaphore, #tpu.memory_space<semaphore_mem>>
          %dma_start3A_53 = arith.constant 0 : i32
          %dma_start3A_54 = tpu.memref_slice %arg5[%add3A_45, %dma_start3A_53] : memref<320000x128xf32, #tpu.memory_space<hbm>> -> memref<80x128xf32, #tpu.memory_space<hbm>>
          %dma_start3A_55 = arith.constant 0 : i32
          %dma_start3A_56 = tpu.memref_slice %arg5[%add3A_45, %dma_start3A_55] : memref<320000x128xf32, #tpu.memory_space<hbm>> -> memref<80x128xf32, #tpu.memory_space<hbm>>
          tpu.enqueue_dma source(%dma_start3A_56 : memref<80x128xf32, #tpu.memory_space<hbm>>) target(%arg12 : memref<80x128xf32, #tpu.memory_space<vmem>>) target_semaphore(%run_scoped3A : memref<!tpu.dma_semaphore, #tpu.memory_space<semaphore_mem>>)
          %dma_wait3A_57 = arith.constant 0 : i32
          %dma_wait3A_58 = tpu.memref_slice %arg5[%add3A_45, %dma_wait3A_57] : memref<320000x128xf32, #tpu.memory_space<hbm>> -> memref<80x128xf32, #tpu.memory_space<hbm>>
          %dma_wait3A_59 = arith.constant 0 : i32
          %dma_wait3A_60 = tpu.memref_slice %arg5[%add3A_45, %dma_wait3A_59] : memref<320000x128xf32, #tpu.memory_space<hbm>> -> memref<80x128xf32, #tpu.memory_space<hbm>>
          tpu.wait_dma2 semaphore(%run_scoped3A : memref<!tpu.dma_semaphore, #tpu.memory_space<semaphore_mem>>) src(%dma_wait3A_60 : memref<80x128xf32, #tpu.memory_space<hbm>>) dst(%arg12 : memref<80x128xf32, #tpu.memory_space<vmem>>)
          tpu.yield
        }) : () -> ()
        %dma_wait3A = arith.constant 0 : i32
        %dma_wait3A_46 = tpu.memref_slice %arg8[%scan3A_37, %dma_wait3A] : memref<25x80xi32, #tpu.memory_space<vmem>> -> memref<1x80xi32, #tpu.memory_space<vmem>>
        %dma_wait3A_47 = tpu.memref_squeeze %dma_wait3A_46 : memref<1x80xi32, #tpu.memory_space<vmem>> -> memref<80xi32, #tpu.memory_space<vmem>>
        %dma_wait3A_48 = arith.constant 0 : i32
        %dma_wait3A_49 = arith.constant 0 : i32
        %dma_wait3A_50 = tpu.memref_slice %arg4[%dma_wait3A_48, %dma_wait3A_49] : memref<10000x128xf32, #tpu.memory_space<hbm>> -> memref<10000x128xf32, #tpu.memory_space<hbm>>
        tpu.wait_indirect_dma semaphore(%arg14 : memref<!tpu.dma_semaphore, #tpu.memory_space<semaphore_mem>>) src(%dma_wait3A_50 : memref<10000x128xf32, #tpu.memory_space<hbm>>) dst(%arg10 : memref<80x128xf32, #tpu.memory_space<vmem>>)
        %parallel_loop3A = arith.constant 0 : i32
        %parallel_loop3A_51 = arith.constant 80 : i32
        %parallel_loop3A_52 = arith.constant 1 : i32
        scf.for %parallel_loop3A_53 = %parallel_loop3A to %parallel_loop3A_51 step %parallel_loop3A_52  : i32 {
          %parallel_loop3A_54 = arith.index_cast %parallel_loop3A_53 : i32 to index
          %parallel_loop3A_55 = arith.constant 0 : index
          %parallel_loop3A_56 = tpu.vector_load %arg10[%parallel_loop3A_54, %parallel_loop3A_55] {strides = array<i32>} : memref<80x128xf32, #tpu.memory_space<vmem>>, vector<1x16xf32>,
          %parallel_loop3A_57 = vector.shape_cast %parallel_loop3A_56 : vector<1x16xf32> to vector<16xf32>
          %parallel_loop3A_58 = arith.index_cast %parallel_loop3A_53 : i32 to index
          %parallel_loop3A_59 = arith.constant 0 : index
          %parallel_loop3A_60 = tpu.vector_load %arg12[%parallel_loop3A_58, %parallel_loop3A_59] {strides = array<i32>} : memref<80x128xf32, #tpu.memory_space<vmem>>, vector<1x16xf32>,
          %parallel_loop3A_61 = vector.shape_cast %parallel_loop3A_60 : vector<1x16xf32> to vector<16xf32>
          %parallel_loop3A_62 = arith.mulf %parallel_loop3A_57, %parallel_loop3A_61 : vector<16xf32>
          %parallel_loop3A_63 = arith.index_cast %parallel_loop3A_53 : i32 to index
          %parallel_loop3A_64 = arith.constant 0 : index
          %parallel_loop3A_65 = tpu.vector_load %arg10[%parallel_loop3A_63, %parallel_loop3A_64] {strides = array<i32>} : memref<80x128xf32, #tpu.memory_space<vmem>>, vector<1x16xf32>,
          %parallel_loop3A_66 = vector.shape_cast %parallel_loop3A_65 : vector<1x16xf32> to vector<16xf32>
          %parallel_loop3A_67 = vector.shape_cast %parallel_loop3A_62 : vector<16xf32> to vector<1x16xf32>
          tpu.vector_store %arg10[%parallel_loop3A_63, %parallel_loop3A_64], %parallel_loop3A_67 {strides = array<i32>} : memref<80x128xf32, #tpu.memory_space<vmem>>, vector<1x16xf32>,
          %parallel_loop3A_68 = arith.index_cast %parallel_loop3A_53 : i32 to index
          %parallel_loop3A_69 = arith.constant 16 : index
          %parallel_loop3A_70 = tpu.vector_load %arg10[%parallel_loop3A_68, %parallel_loop3A_69] {strides = array<i32>} : memref<80x128xf32, #tpu.memory_space<vmem>>, vector<1x16xf32>,
          %parallel_loop3A_71 = vector.shape_cast %parallel_loop3A_70 : vector<1x16xf32> to vector<16xf32>
          %parallel_loop3A_72 = arith.index_cast %parallel_loop3A_53 : i32 to index
          %parallel_loop3A_73 = arith.constant 16 : index
          %parallel_loop3A_74 = tpu.vector_load %arg12[%parallel_loop3A_72, %parallel_loop3A_73] {strides = array<i32>} : memref<80x128xf32, #tpu.memory_space<vmem>>, vector<1x16xf32>,
          %parallel_loop3A_75 = vector.shape_cast %parallel_loop3A_74 : vector<1x16xf32> to vector<16xf32>
          %parallel_loop3A_76 = arith.mulf %parallel_loop3A_71, %parallel_loop3A_75 : vector<16xf32>
          %parallel_loop3A_77 = arith.index_cast %parallel_loop3A_53 : i32 to index
          %parallel_loop3A_78 = arith.constant 16 : index
          %parallel_loop3A_79 = tpu.vector_load %arg10[%parallel_loop3A_77, %parallel_loop3A_78] {strides = array<i32>} : memref<80x128xf32, #tpu.memory_space<vmem>>, vector<1x16xf32>,
          %parallel_loop3A_80 = vector.shape_cast %parallel_loop3A_79 : vector<1x16xf32> to vector<16xf32>
          %parallel_loop3A_81 = vector.shape_cast %parallel_loop3A_76 : vector<16xf32> to vector<1x16xf32>
          tpu.vector_store %arg10[%parallel_loop3A_77, %parallel_loop3A_78], %parallel_loop3A_81 {strides = array<i32>} : memref<80x128xf32, #tpu.memory_space<vmem>>, vector<1x16xf32>,
          %parallel_loop3A_82 = arith.index_cast %parallel_loop3A_53 : i32 to index
          %parallel_loop3A_83 = arith.constant 32 : index
          %parallel_loop3A_84 = tpu.vector_load %arg10[%parallel_loop3A_82, %parallel_loop3A_83] {strides = array<i32>} : memref<80x128xf32, #tpu.memory_space<vmem>>, vector<1x16xf32>,
          %parallel_loop3A_85 = vector.shape_cast %parallel_loop3A_84 : vector<1x16xf32> to vector<16xf32>
          %parallel_loop3A_86 = arith.index_cast %parallel_loop3A_53 : i32 to index
          %parallel_loop3A_87 = arith.constant 32 : index
          %parallel_loop3A_88 = tpu.vector_load %arg12[%parallel_loop3A_86, %parallel_loop3A_87] {strides = array<i32>} : memref<80x128xf32, #tpu.memory_space<vmem>>, vector<1x16xf32>,
          %parallel_loop3A_89 = vector.shape_cast %parallel_loop3A_88 : vector<1x16xf32> to vector<16xf32>
          %parallel_loop3A_90 = arith.mulf %parallel_loop3A_85, %parallel_loop3A_89 : vector<16xf32>
          %parallel_loop3A_91 = arith.index_cast %parallel_loop3A_53 : i32 to index
          %parallel_loop3A_92 = arith.constant 32 : index
          %parallel_loop3A_93 = tpu.vector_load %arg10[%parallel_loop3A_91, %parallel_loop3A_92] {strides = array<i32>} : memref<80x128xf32, #tpu.memory_space<vmem>>, vector<1x16xf32>,
          %parallel_loop3A_94 = vector.shape_cast %parallel_loop3A_93 : vector<1x16xf32> to vector<16xf32>
          %parallel_loop3A_95 = vector.shape_cast %parallel_loop3A_90 : vector<16xf32> to vector<1x16xf32>
          tpu.vector_store %arg10[%parallel_loop3A_91, %parallel_loop3A_92], %parallel_loop3A_95 {strides = array<i32>} : memref<80x128xf32, #tpu.memory_space<vmem>>, vector<1x16xf32>,
          %parallel_loop3A_96 = arith.index_cast %parallel_loop3A_53 : i32 to index
          %parallel_loop3A_97 = arith.constant 48 : index
          %parallel_loop3A_98 = tpu.vector_load %arg10[%parallel_loop3A_96, %parallel_loop3A_97] {strides = array<i32>} : memref<80x128xf32, #tpu.memory_space<vmem>>, vector<1x16xf32>,
          %parallel_loop3A_99 = vector.shape_cast %parallel_loop3A_98 : vector<1x16xf32> to vector<16xf32>
          %parallel_loop3A_100 = arith.index_cast %parallel_loop3A_53 : i32 to index
          %parallel_loop3A_101 = arith.constant 48 : index
          %parallel_loop3A_102 = tpu.vector_load %arg12[%parallel_loop3A_100, %parallel_loop3A_101] {strides = array<i32>} : memref<80x128xf32, #tpu.memory_space<vmem>>, vector<1x16xf32>,
          %parallel_loop3A_103 = vector.shape_cast %parallel_loop3A_102 : vector<1x16xf32> to vector<16xf32>
          %parallel_loop3A_104 = arith.mulf %parallel_loop3A_99, %parallel_loop3A_103 : vector<16xf32>
          %parallel_loop3A_105 = arith.index_cast %parallel_loop3A_53 : i32 to index
          %parallel_loop3A_106 = arith.constant 48 : index
          %parallel_loop3A_107 = tpu.vector_load %arg10[%parallel_loop3A_105, %parallel_loop3A_106] {strides = array<i32>} : memref<80x128xf32, #tpu.memory_space<vmem>>, vector<1x16xf32>,
          %parallel_loop3A_108 = vector.shape_cast %parallel_loop3A_107 : vector<1x16xf32> to vector<16xf32>
          %parallel_loop3A_109 = vector.shape_cast %parallel_loop3A_104 : vector<16xf32> to vector<1x16xf32>
          tpu.vector_store %arg10[%parallel_loop3A_105, %parallel_loop3A_106], %parallel_loop3A_109 {strides = array<i32>} : memref<80x128xf32, #tpu.memory_space<vmem>>, vector<1x16xf32>,
          %parallel_loop3A_110 = arith.index_cast %parallel_loop3A_53 : i32 to index
          %parallel_loop3A_111 = arith.constant 64 : index
          %parallel_loop3A_112 = tpu.vector_load %arg10[%parallel_loop3A_110, %parallel_loop3A_111] {strides = array<i32>} : memref<80x128xf32, #tpu.memory_space<vmem>>, vector<1x16xf32>,
          %parallel_loop3A_113 = vector.shape_cast %parallel_loop3A_112 : vector<1x16xf32> to vector<16xf32>
          %parallel_loop3A_114 = arith.index_cast %parallel_loop3A_53 : i32 to index
          %parallel_loop3A_115 = arith.constant 64 : index
          %parallel_loop3A_116 = tpu.vector_load %arg12[%parallel_loop3A_114, %parallel_loop3A_115] {strides = array<i32>} : memref<80x128xf32, #tpu.memory_space<vmem>>, vector<1x16xf32>,
          %parallel_loop3A_117 = vector.shape_cast %parallel_loop3A_116 : vector<1x16xf32> to vector<16xf32>
          %parallel_loop3A_118 = arith.mulf %parallel_loop3A_113, %parallel_loop3A_117 : vector<16xf32>
          %parallel_loop3A_119 = arith.index_cast %parallel_loop3A_53 : i32 to index
          %parallel_loop3A_120 = arith.constant 64 : index
          %parallel_loop3A_121 = tpu.vector_load %arg10[%parallel_loop3A_119, %parallel_loop3A_120] {strides = array<i32>} : memref<80x128xf32, #tpu.memory_space<vmem>>, vector<1x16xf32>,
          %parallel_loop3A_122 = vector.shape_cast %parallel_loop3A_121 : vector<1x16xf32> to vector<16xf32>
          %parallel_loop3A_123 = vector.shape_cast %parallel_loop3A_118 : vector<16xf32> to vector<1x16xf32>
          tpu.vector_store %arg10[%parallel_loop3A_119, %parallel_loop3A_120], %parallel_loop3A_123 {strides = array<i32>} : memref<80x128xf32, #tpu.memory_space<vmem>>, vector<1x16xf32>,
          %parallel_loop3A_124 = arith.index_cast %parallel_loop3A_53 : i32 to index
          %parallel_loop3A_125 = arith.constant 80 : index
          %parallel_loop3A_126 = tpu.vector_load %arg10[%parallel_loop3A_124, %parallel_loop3A_125] {strides = array<i32>} : memref<80x128xf32, #tpu.memory_space<vmem>>, vector<1x16xf32>,
          %parallel_loop3A_127 = vector.shape_cast %parallel_loop3A_126 : vector<1x16xf32> to vector<16xf32>
          %parallel_loop3A_128 = arith.index_cast %parallel_loop3A_53 : i32 to index
          %parallel_loop3A_129 = arith.constant 80 : index
          %parallel_loop3A_130 = tpu.vector_load %arg12[%parallel_loop3A_128, %parallel_loop3A_129] {strides = array<i32>} : memref<80x128xf32, #tpu.memory_space<vmem>>, vector<1x16xf32>,
          %parallel_loop3A_131 = vector.shape_cast %parallel_loop3A_130 : vector<1x16xf32> to vector<16xf32>
          %parallel_loop3A_132 = arith.mulf %parallel_loop3A_127, %parallel_loop3A_131 : vector<16xf32>
          %parallel_loop3A_133 = arith.index_cast %parallel_loop3A_53 : i32 to index
          %parallel_loop3A_134 = arith.constant 80 : index
          %parallel_loop3A_135 = tpu.vector_load %arg10[%parallel_loop3A_133, %parallel_loop3A_134] {strides = array<i32>} : memref<80x128xf32, #tpu.memory_space<vmem>>, vector<1x16xf32>,
          %parallel_loop3A_136 = vector.shape_cast %parallel_loop3A_135 : vector<1x16xf32> to vector<16xf32>
          %parallel_loop3A_137 = vector.shape_cast %parallel_loop3A_132 : vector<16xf32> to vector<1x16xf32>
          tpu.vector_store %arg10[%parallel_loop3A_133, %parallel_loop3A_134], %parallel_loop3A_137 {strides = array<i32>} : memref<80x128xf32, #tpu.memory_space<vmem>>, vector<1x16xf32>,
          %parallel_loop3A_138 = arith.index_cast %parallel_loop3A_53 : i32 to index
          %parallel_loop3A_139 = arith.constant 96 : index
          %parallel_loop3A_140 = tpu.vector_load %arg10[%parallel_loop3A_138, %parallel_loop3A_139] {strides = array<i32>} : memref<80x128xf32, #tpu.memory_space<vmem>>, vector<1x16xf32>,
          %parallel_loop3A_141 = vector.shape_cast %parallel_loop3A_140 : vector<1x16xf32> to vector<16xf32>
          %parallel_loop3A_142 = arith.index_cast %parallel_loop3A_53 : i32 to index
          %parallel_loop3A_143 = arith.constant 96 : index
          %parallel_loop3A_144 = tpu.vector_load %arg12[%parallel_loop3A_142, %parallel_loop3A_143] {strides = array<i32>} : memref<80x128xf32, #tpu.memory_space<vmem>>, vector<1x16xf32>,
          %parallel_loop3A_145 = vector.shape_cast %parallel_loop3A_144 : vector<1x16xf32> to vector<16xf32>
          %parallel_loop3A_146 = arith.mulf %parallel_loop3A_141, %parallel_loop3A_145 : vector<16xf32>
          %parallel_loop3A_147 = arith.index_cast %parallel_loop3A_53 : i32 to index
          %parallel_loop3A_148 = arith.constant 96 : index
          %parallel_loop3A_149 = tpu.vector_load %arg10[%parallel_loop3A_147, %parallel_loop3A_148] {strides = array<i32>} : memref<80x128xf32, #tpu.memory_space<vmem>>, vector<1x16xf32>,
          %parallel_loop3A_150 = vector.shape_cast %parallel_loop3A_149 : vector<1x16xf32> to vector<16xf32>
          %parallel_loop3A_151 = vector.shape_cast %parallel_loop3A_146 : vector<16xf32> to vector<1x16xf32>
          tpu.vector_store %arg10[%parallel_loop3A_147, %parallel_loop3A_148], %parallel_loop3A_151 {strides = array<i32>} : memref<80x128xf32, #tpu.memory_space<vmem>>, vector<1x16xf32>,
          %parallel_loop3A_152 = arith.index_cast %parallel_loop3A_53 : i32 to index
          %parallel_loop3A_153 = arith.constant 112 : index
          %parallel_loop3A_154 = tpu.vector_load %arg10[%parallel_loop3A_152, %parallel_loop3A_153] {strides = array<i32>} : memref<80x128xf32, #tpu.memory_space<vmem>>, vector<1x16xf32>,
          %parallel_loop3A_155 = vector.shape_cast %parallel_loop3A_154 : vector<1x16xf32> to vector<16xf32>
          %parallel_loop3A_156 = arith.index_cast %parallel_loop3A_53 : i32 to index
          %parallel_loop3A_157 = arith.constant 112 : index
          %parallel_loop3A_158 = tpu.vector_load %arg12[%parallel_loop3A_156, %parallel_loop3A_157] {strides = array<i32>} : memref<80x128xf32, #tpu.memory_space<vmem>>, vector<1x16xf32>,
          %parallel_loop3A_159 = vector.shape_cast %parallel_loop3A_158 : vector<1x16xf32> to vector<16xf32>
          %parallel_loop3A_160 = arith.mulf %parallel_loop3A_155, %parallel_loop3A_159 : vector<16xf32>
          %parallel_loop3A_161 = arith.index_cast %parallel_loop3A_53 : i32 to index
          %parallel_loop3A_162 = arith.constant 112 : index
          %parallel_loop3A_163 = tpu.vector_load %arg10[%parallel_loop3A_161, %parallel_loop3A_162] {strides = array<i32>} : memref<80x128xf32, #tpu.memory_space<vmem>>, vector<1x16xf32>,
          %parallel_loop3A_164 = vector.shape_cast %parallel_loop3A_163 : vector<1x16xf32> to vector<16xf32>
          %parallel_loop3A_165 = vector.shape_cast %parallel_loop3A_160 : vector<16xf32> to vector<1x16xf32>
          tpu.vector_store %arg10[%parallel_loop3A_161, %parallel_loop3A_162], %parallel_loop3A_165 {strides = array<i32>} : memref<80x128xf32, #tpu.memory_space<vmem>>, vector<1x16xf32>,
        } {sc.loop_unroll_factor = 4 : i64, sc.parallel_access}
        "tpu.region"() ({
          %run_scoped3A = tpu.sem_alloc : memref<!tpu.dma_semaphore, #tpu.memory_space<semaphore_mem>>
          %dma_start3A_53 = arith.constant 0 : i32
          %dma_start3A_54 = tpu.memref_slice %arg9[%scan3A_37, %dma_start3A_53] : memref<25x80xi32, #tpu.memory_space<vmem>> -> memref<1x80xi32, #tpu.memory_space<vmem>>
          %dma_start3A_55 = tpu.memref_squeeze %dma_start3A_54 : memref<1x80xi32, #tpu.memory_space<vmem>> -> memref<80xi32, #tpu.memory_space<vmem>>
          %dma_start3A_56 = arith.constant 0 : i32
          %dma_start3A_57 = arith.constant 0 : i32
          %dma_start3A_58 = tpu.memref_slice %arg13[%dma_start3A_56, %dma_start3A_57] : memref<10000x128xf32, #tpu.memory_space<vmem_shared>> -> memref<10000x128xf32, #tpu.memory_space<vmem_shared>>
          tpu.enqueue_indirect_dma source(%arg10 : memref<80x128xf32, #tpu.memory_space<vmem>>) target(%dma_start3A_58 : memref<10000x128xf32, #tpu.memory_space<vmem_shared>>) offsets(%dma_start3A_55 : memref<80xi32, #tpu.memory_space<vmem>>) semaphore(%run_scoped3A : memref<!tpu.dma_semaphore, #tpu.memory_space<semaphore_mem>>) {add = true}
          %dma_wait3A_59 = arith.constant 0 : i32
          %dma_wait3A_60 = tpu.memref_slice %arg9[%scan3A_37, %dma_wait3A_59] : memref<25x80xi32, #tpu.memory_space<vmem>> -> memref<1x80xi32, #tpu.memory_space<vmem>>
          %dma_wait3A_61 = tpu.memref_squeeze %dma_wait3A_60 : memref<1x80xi32, #tpu.memory_space<vmem>> -> memref<80xi32, #tpu.memory_space<vmem>>
          %dma_wait3A_62 = arith.constant 0 : i32
          %dma_wait3A_63 = arith.constant 0 : i32
          %dma_wait3A_64 = tpu.memref_slice %arg13[%dma_wait3A_62, %dma_wait3A_63] : memref<10000x128xf32, #tpu.memory_space<vmem_shared>> -> memref<10000x128xf32, #tpu.memory_space<vmem_shared>>
          tpu.wait_indirect_dma semaphore(%run_scoped3A : memref<!tpu.dma_semaphore, #tpu.memory_space<semaphore_mem>>) src(%arg10 : memref<80x128xf32, #tpu.memory_space<vmem>>) dst(%dma_wait3A_64 : memref<10000x128xf32, #tpu.memory_space<vmem_shared>>)
          tpu.yield
        }) : () -> ()
      }
      %scan3A_36 = arith.constant 25 : i32
    }
    %scan3A_11 = arith.constant 5 : i32
    %barrier3A_12 = arith.constant 0 : index
    tpu.barrier barrier_id(%barrier3A_12)
    %lt3A_13 = arith.constant 15 : i32
    %lt3A_14 = arith.cmpi slt, %arg1, %lt3A_13 : i32
    %convert_element_type3A_15 = arith.extui %lt3A_14 : i1 to i32
    %cond3A_16 = arith.constant 0 : i32
    %cond3A_17 = arith.cmpi ne, %convert_element_type3A_15, %cond3A_16 : i32
    scf.if %cond3A_17 {
      %mul3A_23 = arith.constant 640 : i32
      %mul3A_24 = arith.muli %arg1, %mul3A_23 : i32
      %mul3A_25 = arith.constant 640 : i32
      %mul3A_26 = arith.muli %arg1, %mul3A_25 : i32
      "tpu.region"() ({
        %run_scoped3A = tpu.sem_alloc : memref<!tpu.dma_semaphore, #tpu.memory_space<semaphore_mem>>
        %dma_start3A = arith.constant 0 : i32
        %dma_start3A_27 = tpu.memref_slice %arg7[%arg0, %mul3A_26, %dma_start3A] : memref<2x10000x128xf32, #tpu.memory_space<hbm>> -> memref<1x640x128xf32, #tpu.memory_space<hbm>>
        %dma_start3A_28 = tpu.memref_squeeze %dma_start3A_27 : memref<1x640x128xf32, #tpu.memory_space<hbm>> -> memref<640x128xf32, #tpu.memory_space<hbm>>
        %dma_start3A_29 = arith.constant 0 : i32
        %dma_start3A_30 = tpu.memref_slice %arg13[%mul3A_24, %dma_start3A_29] : memref<10000x128xf32, #tpu.memory_space<vmem_shared>> -> memref<640x128xf32, #tpu.memory_space<vmem_shared>>
        tpu.enqueue_dma source(%dma_start3A_30 : memref<640x128xf32, #tpu.memory_space<vmem_shared>>) target(%dma_start3A_28 : memref<640x128xf32, #tpu.memory_space<hbm>>) target_semaphore(%run_scoped3A : memref<!tpu.dma_semaphore, #tpu.memory_space<semaphore_mem>>)
        %dma_wait3A = arith.constant 0 : i32
        %dma_wait3A_31 = tpu.memref_slice %arg7[%arg0, %mul3A_26, %dma_wait3A] : memref<2x10000x128xf32, #tpu.memory_space<hbm>> -> memref<1x640x128xf32, #tpu.memory_space<hbm>>
        %dma_wait3A_32 = tpu.memref_squeeze %dma_wait3A_31 : memref<1x640x128xf32, #tpu.memory_space<hbm>> -> memref<640x128xf32, #tpu.memory_space<hbm>>
        %dma_wait3A_33 = arith.constant 0 : i32
        %dma_wait3A_34 = tpu.memref_slice %arg13[%mul3A_24, %dma_wait3A_33] : memref<10000x128xf32, #tpu.memory_space<vmem_shared>> -> memref<640x128xf32, #tpu.memory_space<vmem_shared>>
        tpu.wait_dma2 semaphore(%run_scoped3A : memref<!tpu.dma_semaphore, #tpu.memory_space<semaphore_mem>>) src(%dma_wait3A_34 : memref<640x128xf32, #tpu.memory_space<vmem_shared>>) dst(%dma_wait3A_32 : memref<640x128xf32, #tpu.memory_space<hbm>>)
        tpu.yield
      }) : () -> ()
    } else {
    }
    %eq3A_18 = arith.constant 15 : i32
    %eq3A_19 = arith.cmpi eq, %arg1, %eq3A_18 : i32
    %convert_element_type3A_20 = arith.extui %eq3A_19 : i1 to i32
    %cond3A_21 = arith.constant 0 : i32
    %cond3A_22 = arith.cmpi ne, %convert_element_type3A_20, %cond3A_21 : i32
    scf.if %cond3A_22 {
      "tpu.region"() ({
        %run_scoped3A = tpu.sem_alloc : memref<!tpu.dma_semaphore, #tpu.memory_space<semaphore_mem>>
        %dma_start3A = arith.constant 9600 : i32
        %dma_start3A_23 = arith.constant 0 : i32
        %dma_start3A_24 = tpu.memref_slice %arg7[%arg0, %dma_start3A, %dma_start3A_23] : memref<2x10000x128xf32, #tpu.memory_space<hbm>> -> memref<1x400x128xf32, #tpu.memory_space<hbm>>
        %dma_start3A_25 = tpu.memref_squeeze %dma_start3A_24 : memref<1x400x128xf32, #tpu.memory_space<hbm>> -> memref<400x128xf32, #tpu.memory_space<hbm>>
        %dma_start3A_26 = arith.constant 9600 : i32
        %dma_start3A_27 = arith.constant 0 : i32
        %dma_start3A_28 = tpu.memref_slice %arg13[%dma_start3A_26, %dma_start3A_27] : memref<10000x128xf32, #tpu.memory_space<vmem_shared>> -> memref<400x128xf32, #tpu.memory_space<vmem_shared>>
        tpu.enqueue_dma source(%dma_start3A_28 : memref<400x128xf32, #tpu.memory_space<vmem_shared>>) target(%dma_start3A_25 : memref<400x128xf32, #tpu.memory_space<hbm>>) target_semaphore(%run_scoped3A : memref<!tpu.dma_semaphore, #tpu.memory_space<semaphore_mem>>)
        %dma_wait3A = arith.constant 9600 : i32
        %dma_wait3A_29 = arith.constant 0 : i32
        %dma_wait3A_30 = tpu.memref_slice %arg7[%arg0, %dma_wait3A, %dma_wait3A_29] : memref<2x10000x128xf32, #tpu.memory_space<hbm>> -> memref<1x400x128xf32, #tpu.memory_space<hbm>>
        %dma_wait3A_31 = tpu.memref_squeeze %dma_wait3A_30 : memref<1x400x128xf32, #tpu.memory_space<hbm>> -> memref<400x128xf32, #tpu.memory_space<hbm>>
        %dma_wait3A_32 = arith.constant 9600 : i32
        %dma_wait3A_33 = arith.constant 0 : i32
        %dma_wait3A_34 = tpu.memref_slice %arg13[%dma_wait3A_32, %dma_wait3A_33] : memref<10000x128xf32, #tpu.memory_space<vmem_shared>> -> memref<400x128xf32, #tpu.memory_space<vmem_shared>>
        tpu.wait_dma2 semaphore(%run_scoped3A : memref<!tpu.dma_semaphore, #tpu.memory_space<semaphore_mem>>) src(%dma_wait3A_34 : memref<400x128xf32, #tpu.memory_space<vmem_shared>>) dst(%dma_wait3A_31 : memref<400x128xf32, #tpu.memory_space<hbm>>)
        tpu.yield
      }) : () -> ()
    } else {
    }
    return
  }
}

module attributes {stable_mosaic.version = 14 : i64} {
  func.func @_radial_body(%arg0: i32, %arg1: memref<16x6400xf32, #tpu.memory_space<vmem>>, %arg2: memref<16x128xf32, #tpu.memory_space<vmem>>, %arg3: memref<1x128xf32, #tpu.memory_space<vmem>>, %arg4: memref<128x128xf32, #tpu.memory_space<vmem>>, %arg5: memref<1x128xf32, #tpu.memory_space<vmem>>, %arg6: memref<6400x128xf32, #tpu.memory_space<vmem>>) attributes {dimension_semantics = [#tpu.dimension_semantics<arbitrary>], iteration_bounds = array<i64: 50>, scalar_prefetch = 0 : i64, scratch_operands = 0 : i64, tpu.core_type = #tpu.core_type<tc>, window_params = [{transform_indices = @transform_0, window_bounds = array<i64: 16, 6400>}, {pipeline_mode = #tpu.pipeline_mode<synchronous>, transform_indices = @transform_1, window_bounds = array<i64: 16, 128>}, {pipeline_mode = #tpu.pipeline_mode<synchronous>, transform_indices = @transform_2, window_bounds = array<i64: 1, 128>}, {pipeline_mode = #tpu.pipeline_mode<synchronous>, transform_indices = @transform_3, window_bounds = array<i64: 128, 128>}, {pipeline_mode = #tpu.pipeline_mode<synchronous>, transform_indices = @transform_4, window_bounds = array<i64: 1, 128>}, {transform_indices = @transform_5, window_bounds = array<i64: 6400, 128>}]} {
    %get3A = arith.constant 0 : index
    %get3A_0 = arith.constant 0 : index
    %get3A_1 = vector.load %arg1[%get3A, %get3A_0] : memref<16x6400xf32, #tpu.memory_space<vmem>>, vector<16x6400xf32>
    %get3A_2 = arith.constant 0 : index
    %get3A_3 = arith.constant 0 : index
    %get3A_4 = vector.load %arg2[%get3A_2, %get3A_3] : memref<16x128xf32, #tpu.memory_space<vmem>>, vector<16x128xf32>
    %dot_general3A = arith.constant dense<0.000000e+00> : vector<6400x128xf32>
    %dot_general3A_5 = tpu.matmul %get3A_1, %get3A_4, %dot_general3A {dimension_numbers = #tpu.dot_dimension_numbers<[0], [0], [1], [1], [0, 1, 1, 1], [], []>, transpose_lhs_hint = false} : vector<16x6400xf32>, vector<16x128xf32>, vector<6400x128xf32> -> vector<6400x128xf32>
    %get3A_6 = arith.constant 0 : index
    %get3A_7 = arith.constant 0 : index
    %get3A_8 = vector.load %arg3[%get3A_6, %get3A_7] : memref<1x128xf32, #tpu.memory_space<vmem>>, vector<1x128xf32>
    %add3A = vector.broadcast %get3A_8 : vector<1x128xf32> to vector<6400x128xf32>
    %add3A_9 = arith.addf %dot_general3A_5, %add3A : vector<6400x128xf32>
    %logistic3A = arith.negf %add3A_9 : vector<6400x128xf32>
    %logistic3A_10 = math.exp %logistic3A : vector<6400x128xf32>
    %logistic3A_11 = arith.constant 1.000000e+00 : f32
    %logistic3A_12 = vector.broadcast %logistic3A_11 : f32 to vector<6400x128xf32>
    %logistic3A_13 = arith.addf %logistic3A_12, %logistic3A_10 : vector<6400x128xf32>
    %logistic3A_14 = arith.divf %logistic3A_12, %logistic3A_13 : vector<6400x128xf32>
    %mul3A = arith.mulf %add3A_9, %logistic3A_14 : vector<6400x128xf32>
    %get3A_15 = arith.constant 0 : index
    %get3A_16 = arith.constant 0 : index
    %get3A_17 = vector.load %arg4[%get3A_15, %get3A_16] : memref<128x128xf32, #tpu.memory_space<vmem>>, vector<128x128xf32>
    %dot_general3A_18 = arith.constant dense<0.000000e+00> : vector<6400x128xf32>
    %dot_general3A_19 = tpu.matmul %mul3A, %get3A_17, %dot_general3A_18 {dimension_numbers = #tpu.dot_dimension_numbers<[1], [0], [0], [1], [0, 0, 1, 1], [], []>, transpose_lhs_hint = false} : vector<6400x128xf32>, vector<128x128xf32>, vector<6400x128xf32> -> vector<6400x128xf32>
    %get3A_20 = arith.constant 0 : index
    %get3A_21 = arith.constant 0 : index
    %get3A_22 = vector.load %arg5[%get3A_20, %get3A_21] : memref<1x128xf32, #tpu.memory_space<vmem>>, vector<1x128xf32>
    %add3A_23 = vector.broadcast %get3A_22 : vector<1x128xf32> to vector<6400x128xf32>
    %add3A_24 = arith.addf %dot_general3A_19, %add3A_23 : vector<6400x128xf32>
    %swap3A = arith.constant 0 : index
    %swap3A_25 = arith.constant 0 : index
    %swap3A_26 = vector.load %arg6[%swap3A, %swap3A_25] : memref<6400x128xf32, #tpu.memory_space<vmem>>, vector<6400x128xf32>
    tpu.vector_store %arg6[%swap3A, %swap3A_25], %add3A_24 {strides = array<i32>} : memref<6400x128xf32, #tpu.memory_space<vmem>>, vector<6400x128xf32>,
    return
  }
  func.func @transform_0(%arg0: i32) -> (i32, i32) {
    %c0_i32 = arith.constant 0 : i32
    %c0_i32_0 = arith.constant 0 : i32
    return %c0_i32, %arg0 : i32, i32
  }
  func.func @transform_1(%arg0: i32) -> (i32, i32) {
    %c0_i32 = arith.constant 0 : i32
    %c0_i32_0 = arith.constant 0 : i32
    %c0_i32_1 = arith.constant 0 : i32
    return %c0_i32, %c0_i32_0 : i32, i32
  }
  func.func @transform_2(%arg0: i32) -> (i32, i32) {
    %c0_i32 = arith.constant 0 : i32
    %c0_i32_0 = arith.constant 0 : i32
    %c0_i32_1 = arith.constant 0 : i32
    return %c0_i32, %c0_i32_0 : i32, i32
  }
  func.func @transform_3(%arg0: i32) -> (i32, i32) {
    %c0_i32 = arith.constant 0 : i32
    %c0_i32_0 = arith.constant 0 : i32
    %c0_i32_1 = arith.constant 0 : i32
    return %c0_i32, %c0_i32_0 : i32, i32
  }
  func.func @transform_4(%arg0: i32) -> (i32, i32) {
    %c0_i32 = arith.constant 0 : i32
    %c0_i32_0 = arith.constant 0 : i32
    %c0_i32_1 = arith.constant 0 : i32
    return %c0_i32, %c0_i32_0 : i32, i32
  }
  func.func @transform_5(%arg0: i32) -> (i32, i32) {
    %c0_i32 = arith.constant 0 : i32
    %c0_i32_0 = arith.constant 0 : i32
    return %arg0, %c0_i32 : i32, i32
  }
}

module attributes {stable_mosaic.version = 14 : i64} {
  func.func @_epilogue_body(%arg0: i32, %arg1: memref<2000x128xf32, #tpu.memory_space<vmem>>, %arg2: memref<2x2000x128xf32, #tpu.memory_space<vmem>>, %arg3: memref<128x128xf32, #tpu.memory_space<vmem>>, %arg4: memref<1x128xf32, #tpu.memory_space<vmem>>, %arg5: memref<128x128xf32, #tpu.memory_space<vmem>>, %arg6: memref<128x128xf32, #tpu.memory_space<vmem>>, %arg7: memref<1x128xf32, #tpu.memory_space<vmem>>, %arg8: memref<2000x128xf32, #tpu.memory_space<vmem>>) attributes {dimension_semantics = [#tpu.dimension_semantics<arbitrary>], iteration_bounds = array<i64: 5>, scalar_prefetch = 0 : i64, scratch_operands = 0 : i64, tpu.core_type = #tpu.core_type<tc>, window_params = [{transform_indices = @transform_0, window_bounds = array<i64: 2000, 128>}, {transform_indices = @transform_1, window_bounds = array<i64: 2, 2000, 128>}, {pipeline_mode = #tpu.pipeline_mode<synchronous>, transform_indices = @transform_2, window_bounds = array<i64: 128, 128>}, {pipeline_mode = #tpu.pipeline_mode<synchronous>, transform_indices = @transform_3, window_bounds = array<i64: 1, 128>}, {pipeline_mode = #tpu.pipeline_mode<synchronous>, transform_indices = @transform_4, window_bounds = array<i64: 128, 128>}, {pipeline_mode = #tpu.pipeline_mode<synchronous>, transform_indices = @transform_5, window_bounds = array<i64: 128, 128>}, {pipeline_mode = #tpu.pipeline_mode<synchronous>, transform_indices = @transform_6, window_bounds = array<i64: 1, 128>}, {transform_indices = @transform_7, window_bounds = array<i64: 2000, 128>}]} {
    %get3A = arith.constant 0 : index
    %get3A_0 = arith.constant 0 : index
    %get3A_1 = vector.load %arg1[%get3A, %get3A_0] : memref<2000x128xf32, #tpu.memory_space<vmem>>, vector<2000x128xf32>
    %get3A_2 = arith.constant 0 : index
    %get3A_3 = arith.constant 0 : index
    %get3A_4 = vector.load %arg3[%get3A_2, %get3A_3] : memref<128x128xf32, #tpu.memory_space<vmem>>, vector<128x128xf32>
    %dot_general3A = arith.constant dense<0.000000e+00> : vector<2000x128xf32>
    %dot_general3A_5 = tpu.matmul %get3A_1, %get3A_4, %dot_general3A {dimension_numbers = #tpu.dot_dimension_numbers<[1], [0], [0], [1], [0, 0, 1, 1], [], []>, transpose_lhs_hint = false} : vector<2000x128xf32>, vector<128x128xf32>, vector<2000x128xf32> -> vector<2000x128xf32>
    %get3A_6 = arith.constant 0 : index
    %get3A_7 = arith.constant 0 : index
    %get3A_8 = vector.load %arg4[%get3A_6, %get3A_7] : memref<1x128xf32, #tpu.memory_space<vmem>>, vector<1x128xf32>
    %add3A = vector.broadcast %get3A_8 : vector<1x128xf32> to vector<2000x128xf32>
    %add3A_9 = arith.addf %dot_general3A_5, %add3A : vector<2000x128xf32>
    %get3A_10 = arith.constant 0 : index
    %get3A_11 = arith.constant 0 : index
    %get3A_12 = arith.constant 0 : index
    %get3A_13 = vector.load %arg2[%get3A_10, %get3A_11, %get3A_12] : memref<2x2000x128xf32, #tpu.memory_space<vmem>>, vector<1x2000x128xf32>
    %get3A_14 = vector.shape_cast %get3A_13 : vector<1x2000x128xf32> to vector<2000x128xf32>
    %get3A_15 = arith.constant 1 : index
    %get3A_16 = arith.constant 0 : index
    %get3A_17 = arith.constant 0 : index
    %get3A_18 = vector.load %arg2[%get3A_15, %get3A_16, %get3A_17] : memref<2x2000x128xf32, #tpu.memory_space<vmem>>, vector<1x2000x128xf32>
    %get3A_19 = vector.shape_cast %get3A_18 : vector<1x2000x128xf32> to vector<2000x128xf32>
    %add3A_20 = arith.addf %get3A_14, %get3A_19 : vector<2000x128xf32>
    %get3A_21 = arith.constant 0 : index
    %get3A_22 = arith.constant 0 : index
    %get3A_23 = vector.load %arg5[%get3A_21, %get3A_22] : memref<128x128xf32, #tpu.memory_space<vmem>>, vector<128x128xf32>
    %dot_general3A_24 = arith.constant dense<0.000000e+00> : vector<2000x128xf32>
    %dot_general3A_25 = tpu.matmul %add3A_9, %get3A_23, %dot_general3A_24 {dimension_numbers = #tpu.dot_dimension_numbers<[1], [0], [0], [1], [0, 0, 1, 1], [], []>, transpose_lhs_hint = false} : vector<2000x128xf32>, vector<128x128xf32>, vector<2000x128xf32> -> vector<2000x128xf32>
    %get3A_26 = arith.constant 0 : index
    %get3A_27 = arith.constant 0 : index
    %get3A_28 = vector.load %arg6[%get3A_26, %get3A_27] : memref<128x128xf32, #tpu.memory_space<vmem>>, vector<128x128xf32>
    %dot_general3A_29 = arith.constant dense<0.000000e+00> : vector<2000x128xf32>
    %dot_general3A_30 = tpu.matmul %add3A_20, %get3A_28, %dot_general3A_29 {dimension_numbers = #tpu.dot_dimension_numbers<[1], [0], [0], [1], [0, 0, 1, 1], [], []>, transpose_lhs_hint = false} : vector<2000x128xf32>, vector<128x128xf32>, vector<2000x128xf32> -> vector<2000x128xf32>
    %add3A_31 = arith.addf %dot_general3A_25, %dot_general3A_30 : vector<2000x128xf32>
    %get3A_32 = arith.constant 0 : index
    %get3A_33 = arith.constant 0 : index
    %get3A_34 = vector.load %arg7[%get3A_32, %get3A_33] : memref<1x128xf32, #tpu.memory_space<vmem>>, vector<1x128xf32>
    %add3A_35 = vector.broadcast %get3A_34 : vector<1x128xf32> to vector<2000x128xf32>
    %add3A_36 = arith.addf %add3A_31, %add3A_35 : vector<2000x128xf32>
    %swap3A = arith.constant 0 : index
    %swap3A_37 = arith.constant 0 : index
    %swap3A_38 = vector.load %arg8[%swap3A, %swap3A_37] : memref<2000x128xf32, #tpu.memory_space<vmem>>, vector<2000x128xf32>
    tpu.vector_store %arg8[%swap3A, %swap3A_37], %add3A_36 {strides = array<i32>} : memref<2000x128xf32, #tpu.memory_space<vmem>>, vector<2000x128xf32>,
    return
  }
  func.func @transform_0(%arg0: i32) -> (i32, i32) {
    %c0_i32 = arith.constant 0 : i32
    %c0_i32_0 = arith.constant 0 : i32
    return %arg0, %c0_i32 : i32, i32
  }
  func.func @transform_1(%arg0: i32) -> (i32, i32, i32) {
    %c0_i32 = arith.constant 0 : i32
    %c0_i32_0 = arith.constant 0 : i32
    %c0_i32_1 = arith.constant 0 : i32
    return %c0_i32, %arg0, %c0_i32_0 : i32, i32, i32
  }
  func.func @transform_2(%arg0: i32) -> (i32, i32) {
    %c0_i32 = arith.constant 0 : i32
    %c0_i32_0 = arith.constant 0 : i32
    %c0_i32_1 = arith.constant 0 : i32
    return %c0_i32, %c0_i32_0 : i32, i32
  }
  func.func @transform_3(%arg0: i32) -> (i32, i32) {
    %c0_i32 = arith.constant 0 : i32
    %c0_i32_0 = arith.constant 0 : i32
    %c0_i32_1 = arith.constant 0 : i32
    return %c0_i32, %c0_i32_0 : i32, i32
  }
  func.func @transform_4(%arg0: i32) -> (i32, i32) {
    %c0_i32 = arith.constant 0 : i32
    %c0_i32_0 = arith.constant 0 : i32
    %c0_i32_1 = arith.constant 0 : i32
    return %c0_i32, %c0_i32_0 : i32, i32
  }
  func.func @transform_5(%arg0: i32) -> (i32, i32) {
    %c0_i32 = arith.constant 0 : i32
    %c0_i32_0 = arith.constant 0 : i32
    %c0_i32_1 = arith.constant 0 : i32
    return %c0_i32, %c0_i32_0 : i32, i32
  }
  func.func @transform_6(%arg0: i32) -> (i32, i32) {
    %c0_i32 = arith.constant 0 : i32
    %c0_i32_0 = arith.constant 0 : i32
    %c0_i32_1 = arith.constant 0 : i32
    return %c0_i32, %c0_i32_0 : i32, i32
  }
  func.func @transform_7(%arg0: i32) -> (i32, i32) {
    %c0_i32 = arith.constant 0 : i32
    %c0_i32_0 = arith.constant 0 : i32
    return %arg0, %c0_i32 : i32, i32
  }
}

</mosaic_0001>

<sc_bundles>
// kernel: kernel.5.cloned.1.call-start
scs
__scs_entry_jumppad:
0x0: {  	(pc) =	sbr.rel $0x88, $3  }
0x1: {  	(tag) =	ssettag $0x0;
	lr =	simm.s32 $0x1  }
0x2: {  	[smem:$0x3F96] =	sst lr;
	_ =	strace $0xD0000000  }
0x3: {  	_ = 	snop  }
0x4: {  	_ = 	snop  }
0x5: {  	_ = 	snop  }
0x6: {  	_ = 	snop  }
0x7: {  	_ = 	snop  }
__scs_overlays_trampoline_lowered:
0x8: {  	[smem:$0x3FA5] =	sst s0  }
0x9: {  	[smem:$0x3FA6] =	sst s1  }
0xa: {  	[smem:$0x3FA7] =	sst s2  }
0xb: {  	[smem:$0x3FA8] =	sst s3  }
0xc: {  	[smem:$0x3FA9] =	sst s4  }
0xd: {  	[smem:$0x3FAA] =	sst s5  }
0xe: {  	[smem:$0x3FAB] =	sst s6  }
0xf: {  	[smem:$0x3FAC] =	sst s7  }
0x10: {  	[smem:$0x3FAD] =	sst s8  }
0x11: {  	[smem:$0x3FAE] =	sst s9;
	s0 =	simm.s32 @!p0 $0x0  }
0x12: {  	s1 =	sld [smem:$0x3F94];
	s0 =	simm.s32 @p0 $0x1  }
0x13: {  	[smem:$0x3FAF] =	sst s0;
	s0 =	simm.s32 @!p1 $0x0  }
0x14: {  	s2 =	sld [smem:$0x3F93];
	s0 =	simm.s32 @p1 $0x1  }
0x15: {  	[smem:$0x3FB0] =	sst s0;
	s0 =	simm.s32 @!p2 $0x0  }
0x16: {  	s3 =	sld [smem:$0x3FDB];
	s0 =	simm.s32 @p2 $0x1  }
0x17: {  	s4 =	simm.s32 $0x1BF5;
	[smem:$0x3FB2] =	sst s0  }
0x18: {  	s0 =	sld [smem:$0x3F95];
	_ =	swait.ge [sflag:s4], $0x0  }
0x19: {  	s7 =	sld [smem:$0x3F96]  }
0x1a: {  	s8 =	sadd.s32 $0xFFFFE003, lr  }
0x1b: {  	s9 =	sadd.s32 $0xFFFFFEF7, lr;
	s5 =	simm.s32 $0xFFFFFFFF;
	p2 =	slt.u32 s8, $0xFFFFF086  }
0x1c: {  	p1 =	slt.u32 s9, $0xF7A;
	s5 =	simm.s32 @!p2 $0x0  }
0x1d: {  	s5 =	simm.s32 @p1 $0x1;
	p0 =	seq.s32 s7, s2  }
0x1e: {  	s7 =	smul.u32 @!p0 $0xF7A, s2;
	p2 =	seq.s32 @!p0 s5, $0x0  }
0x1f: {  	s9 =	smul.u32 $0xF7A, s1;
	s8 =	simm.s32 @!p0 $0x1BF5;
	p2 =	por !p2, p0  }
0x20: {  	[sflag:s8] =	ssyncset.s32 @!p0 $0xFFFFF086;
	s6 =	sadd.s32 @!p0 s3, s7;
	s7 =	simm.s32 @!p0 $0x108  }
0x21: {  	s3 =	sadd.s32 s3, s9;
	s6 =	sadd.s32 @!p0 $0x88, s6;
	s7 =	simm.s32 @p2 $0x1082  }
0x22: {  	[simem:s7], [sflag:s8] =	dma.local @!p0 [hbm:s6], $0xF7A  }
0x23: {  	s9 =	sor.u32 $0xD0000000, s2;
	s6 =	simm.s32 $0x108;
	_ =	swait.ge @!p0 [sflag:s8], $0x0  }
0x24: {  	s3 =	sadd.s32 $0x88, s3;
	s6 =	simm.s32 @!p1 $0x1082;
	[sflag:s4] =	ssyncset.s32 $0xFFFFF086  }
0x25: {  	[simem:s6], [sflag:s4] =	dma.local [hbm:s3], $0xF7A  }
0x26: {  	[smem:$0x3F96] =	sst s1;
	(tag) =	ssettag s2;
	_ =	strace s9  }
0x27: {  	s1 =	sld [smem:$0x3FA6]  }
0x28: {  	s2 =	sld [smem:$0x3FA7]  }
0x29: {  	s4 =	sld [smem:$0x3FA9]  }
0x2a: {  	p0 =	seq.s32 s5, $0x0;
	s5 =	sld [smem:$0x3FAA]  }
0x2b: {  	s6 =	sld [smem:$0x3FAB]  }
0x2c: {  	s7 =	sld [smem:$0x3FAC]  }
0x2d: {  	s3 =	simm.s32 $0x108;
	s8 =	sld [smem:$0x3FAD]  }
0x2e: {  	s3 =	simm.s32 @!p0 $0x1082;
	s9 =	sld [smem:$0x3FAE]  }
0x2f: {  	lr =	sadd.s32 s0, s3;
	s0 =	sld [smem:$0x3FA5]  }
0x30: {  	s3 =	sld [smem:$0x3FA8]  }
0x31: {  	[smem:$0x3FB1] =	sst s10  }
0x32: {  	s10 =	sld [smem:$0x3FAF];
	_ =	sdelay $0x3  }
0x33: {  	p0 =	seq.s32 s10, $0x1;
	s10 =	sld [smem:$0x3FB1];
	_ =	sdelay $0x3  }
0x34: {  	[smem:$0x3FB1] =	sst s10  }
0x35: {  	s10 =	sld [smem:$0x3FB0];
	_ =	sdelay $0x3  }
0x36: {  	p1 =	seq.s32 s10, $0x1;
	s10 =	sld [smem:$0x3FB1];
	_ =	sdelay $0x3  }
0x37: {  	[smem:$0x3FB1] =	sst s10  }
0x38: {  	s10 =	sld [smem:$0x3FB2]  }
0x39: {  	_ = 	snop;
	(pc) =	sbr.ind lr, $3  }
0x3a: {  	_ = 	snop  }
0x3b: {  	_ = 	snop  }
0x3c: {  	p2 =	seq.s32 s10, $0x1;
	s10 =	sld [smem:$0x3FB1]  }
0x3d: {  	_ =	shalt  }
0x3e: {  	_ =	shalt  }
0x3f: {  	_ =	shalt  }
0x40: {  	_ =	shalt  }
0x41: {  	_ =	shalt  }
0x42: {  	_ =	shalt  }
0x43: {  	_ =	shalt  }
0x44: {  	_ =	shalt  }
0x45: {  	_ =	shalt  }
0x46: {  	_ =	shalt  }
0x47: {  	_ =	shalt  }
0x48: {  	_ =	shalt  }
0x49: {  	_ =	shalt  }
0x4a: {  	_ =	shalt  }
0x4b: {  	_ =	shalt  }
0x4c: {  	_ =	shalt  }
0x4d: {  	_ =	shalt  }
0x4e: {  	_ =	shalt  }
0x4f: {  	_ =	shalt  }
0x50: {  	_ =	shalt  }
0x51: {  	_ =	shalt  }
0x52: {  	_ =	shalt  }
0x53: {  	_ =	shalt  }
0x54: {  	_ =	shalt  }
0x55: {  	_ =	shalt  }
0x56: {  	_ =	shalt  }
0x57: {  	_ =	shalt  }
0x58: {  	_ =	shalt  }
0x59: {  	_ =	shalt  }
0x5a: {  	_ =	shalt  }
0x5b: {  	_ =	shalt  }
0x5c: {  	_ =	shalt  }
0x5d: {  	_ =	shalt  }
0x5e: {  	_ =	shalt  }
0x5f: {  	_ =	shalt  }
0x60: {  	_ =	shalt  }
0x61: {  	_ =	shalt  }
0x62: {  	_ =	shalt  }
0x63: {  	_ =	shalt  }
0x64: {  	_ =	shalt  }
0x65: {  	_ =	shalt  }
0x66: {  	_ =	shalt  }
0x67: {  	_ =	shalt  }
0x68: {  	_ =	shalt  }
0x69: {  	_ =	shalt  }
0x6a: {  	_ =	shalt  }
0x6b: {  	_ =	shalt  }
0x6c: {  	_ =	shalt  }
0x6d: {  	_ =	shalt  }
0x6e: {  	_ =	shalt  }
0x6f: {  	_ =	shalt  }
0x70: {  	_ =	shalt  }
0x71: {  	_ =	shalt  }
0x72: {  	_ =	shalt  }
0x73: {  	_ =	shalt  }
0x74: {  	_ =	shalt  }
0x75: {  	_ =	shalt  }
0x76: {  	_ =	shalt  }
0x77: {  	_ =	shalt  }
0x78: {  	_ =	shalt  }
0x79: {  	_ =	shalt  }
0x7a: {  	_ =	shalt  }
0x7b: {  	_ =	shalt  }
0x7c: {  	_ =	shalt  }
0x7d: {  	_ =	shalt  }
0x7e: {  	_ =	shalt  }
0x7f: {  	_ =	shalt  }
0x80: {  	_ =	shalt  }
0x81: {  	_ =	shalt  }
0x82: {  	_ =	shalt  }
0x83: {  	_ =	shalt  }
0x84: {  	_ =	shalt  }
0x85: {  	_ =	shalt  }
0x86: {  	_ =	shalt  }
0x87: {  	_ =	shalt  }
.Lfunc_end0:
.L_simem_size_0:
called_computation_lowered:
.L_overlay_start_0:
0x88: {  	s2 =	sld [smem:$0x3FD9]  }
0x89: {  	s3 =	sld [smem:$0x3FFE];
	_ =	sdelay $0x1  }
0x8a: {  	s1 =	srdreg.scid  }
0x8b: {  	s0 =	sand.u32 $0x1, s1  }
0x8c: {  	s17 =	sshll.u32 s0, $0xA;
	s2 =	sadd.s32 s3, s2  }
0x8d: {  	s2 =	sadd.s32 s2, s17  }
0x8e: {  	[smem:$0x3FBD] =	sst s2  }
0x8f: {  	_ = 	snop  }
0x90: {  	s2 =	sld [smem:$0x3FC9]  }
0x91: {  	s18 =	sld [smem:$0x3FD0];
	(tm) =	ssettm $0x1  }
0x92: {  	s4 =	sld [smem:$0x3FFB];
	_ =	sdelay $0x3  }
0x93: {  	_ =	strace s4  }
0x94: {  	s4 =	sld [smem:$0x3FFC];
	_ =	sdelay $0x3  }
0x95: {  	_ =	strace s4  }
0x96: {  	s4 =	sld [smem:$0x3FFD];
	_ =	sdelay $0x3  }
0x97: {  	_ =	strace s4  }
0x98: {  	_ =	strace $0x8FFFFFFF  }
0x99: {  	s19 =	sld [smem:$0x3FDB];
	_ =	sdelay $0x1  }
0x9a: {  	s5 =	simm.s32 $_scs_section_size  }
0x9b: {  	s6 =	simm.s32 $_size__tile_overlayer_lowered;
	s7 =	simm.s32 $_tile_overlayer_lowered  }
0x9c: {  	s22 =	simm.s32 $0x1BFF;
	s21 =	sshll.u32 s7, $0x1;
	s4 =	sadd.s32 s5, s19  }
0x9d: {  	s8 =	simm.s32 $0x0;
	s20 =	sshll.u32 s6, $0x1;
	s6 =	sadd.s32 s21, s4  }
0x9e: {  	[timem:s8], [sflag:s22] =	dma.local [hbm:s6], s20  }
0x9f: {  	_ =	swait.ge [sflag:s22], s20  }
0xa0: {  	s5 =	ssub.s32 $0x0, s20;
	[sflag:s22] =	ssyncset.done $0x0  }
0xa1: {  	[sflag:s22] =	ssyncadd.s32 s5;
	_ =	sdelay $0x1  }
0xa2: {  	s23 =	simm.s32 $0x1B8B  }
0xa3: {  	_ =	swait.ge [sflag:s23], $0x1  }
0xa4: {  	[sflag:s23] =	ssyncset.done $0x0  }
0xa5: {  	s25 =	simm.s32 $0x1B8E;
	s24 =	sld [smem:$0x3FFE];
	[sflag:s23] =	ssyncadd.s32 $0xFFFFFFFF  }
0xa6: {  	s26 =	simm.s32 $execute0_lowered;
	[smem:$0x3FD2] =	sst s25  }
0xa7: {  	s6 =	sshll.u32 s26, $0x1;
	_ =	strace $0x80000046;
	[dreg:$0x1] =	wrdreg $0xFFFFFFFF  }
0xa8: {  	s28 =	simm.s32 $_size_execute0_lowered;
	s4 =	sadd.s32 s4, s6;
	[dreg:$0x0] =	wrdreg $0x0  }
0xa9: {  	s6 =	sshll.u32 s28, $0x1;
	[dreg:$0x2] =	wrdreg s4  }
0xaa: {  	[dreg:$0x3] =	wrdreg s6  }
0xab: {  	[dreg:$0x4] =	wrdreg $0xC0  }
0xac: {  	_ =	task [dreg:s8], $0x5FFFF  }
0xad: {  	[dreg:$0x1] =	wrdreg $0xFFFFFFFF  }
0xae: {  	[dreg:$0x0] =	wrdreg $0x60  }
0xaf: {  	[dreg:$0x2] =	wrdreg s18  }
0xb0: {  	[dreg:$0x3] =	wrdreg s24  }
0xb1: {  	[dreg:$0x4] =	wrdreg s2  }
0xb2: {  	[dreg:$0x5] =	wrdreg $0x70000  }
0xb3: {  	[dreg:$0x6] =	wrdreg $0x9  }
0xb4: {  	_ =	task.clear_ibuf [dreg:s8], $0x7FFFF;
	_ =	strace $0x90000046  }
0xb5: {  	s29 =	simm.s32 $0x9;
	_ =	strace $0x80000048  }
0xb6: {  	_ =	swait.ge [sflag:s29], $0x1  }
0xb7: {  	[sflag:s29] =	ssyncadd.s32 $0xFFFFFFFF  }
0xb8: {  	_ =	strace $0x90000048  }
0xb9: {  	_ =	sfence  }
0xba: {  	s30 =	sld [smem:$0x0];
	_ =	sdelay $0x2  }
0xbb: {  	s31 =	sshll.u32 s1, $0xD;
	s1 =	sshrl.u32 s1, $0x2  }
0xbc: {  	s3 =	sand.u32 $0x4000, s31;
	s1 =	sadd.s32 s1, s30  }
0xbd: {  	s0 =	sor.u32 s3, s0;
	s1 =	sshll.u32 s1, $0x11  }
0xbe: {  	s0 =	sor.u32 s1, s0  }
0xbf: {  	s0 =	sadd.s32 $0x8F2B, s0  }
0xc0: {  	[sflag:s0] =	ssyncadd.remote.s32 $0x1  }
0xc1: {  	_ =	sfence.sel $0xFFFF  }
0xc2: {  	[dreg:$0x0] =	wrdreg $0xFFFFFFFF;
	(pc) =	sbr.abs _section_cstart, $3  }
0xc3: {  	[dreg:$0x1] =	wrdreg $0xFFFFFFFF  }
0xc4: {  	_ =	task.clear_ibuf [dreg:s8], $0x2FFFF;
	_ =	strace $0x9FFFFFFF  }
0xc5: {  	(tm) =	ssettm $0x7FFFFFFF  }
tec
execute0_lowered:
.L_overlay_start_1:
0x0: {  	(tag) =	ssettag $0x1  }
0x1: {  	s1 =	rddreg [dreg:$0x0]  }
0x2: {  	s0 =	rddreg [dreg:$0x1]  }
0x3: {  	s2 =	rddreg [dreg:$0x2]  }
0x4: {  	s3 =	rddreg [dreg:$0x3]  }
0x5: {  	s4 =	simm.s32 $0x0;
	s5 =	srdreg.scid;
	s17 =	simm.s32 $0x2  }
0x6: {  	s18 =	simm.s32 $0x1000;
	s19 =	simm.s32 $0x50;
	s20 =	simm.s32 $0x2000  }
0x7: {  	s21 =	simm.s32 $0x4800;
	s22 =	simm.s32 $0x1;
	s23 =	simm.s32 $0x0  }
0x8: {  	[smem:$0x7FF] =	sst s4;
	s6 =	sadd.s32 $0x1400, s0;
	s9 =	sand.u32 $0x1, s5  }
0x9: {  	s7 =	sadd.s32 $0x15400, s0;
	s5 =	stileid.u32;
	s8 =	sadd.s32 $0x4F7400, s0  }
0xa: {  	s0 =	sadd.s32 $0x4F9C00, s0;
	s15 =	sadd.s32 $0x12C000, s3;
	s12 =	smul.u32 $0x50000, s5  }
0xb: {  	_ =	strace $0x80000047;
	s10 =	ssub.s32 $0x2, s9;
	s26 =	smul.u32 $0x138800, s9  }
0xc: {  	s9 =	sshll.u32 s9, $0x4;
	s29 =	smul.u32 $0x14000, s5;
	s11 =	sshrl.u32 s10, $0x1  }
0xd: {  	p0 =	seq.s32 s5, $0xF;
	s14 =	sor.u32 s5, s9;
	s13 =	ssub.s32 s10, s11  }
0xe: {  	s28 =	sshrl.u32 s12, $0x2;
	s9 =	smul.u32 $0x5000, s14;
	s30 =	sadd.s32 s29, s26  }
0xf: {  	s31 =	sshrl.u32 s26, $0x3;
	s10 =	smul.u32 $0x2710, s14;
	s14 =	sshrl.u32 @p0 s15, $0x3  }
0x10: {  	s16 =	sadd.s32 s28, s3;
	s11 =	sshrl.u32 s30, $0x3;
	s12 =	sadd.s32 s0, s31  }
0x11: {  	s13 =	smax.u32 s13, $0x1;
	s11 =	sadd.s32 s0, s11;
	s0 =	sshll.u32 @!p0 s5, $0x6  }
0x12: {  	s12 =	sadd.s32 $0x25800, s12;
	s16 =	sshrl.u32 @!p0 s16, $0x3;
	s15 =	sor.u32 @!p0 $0x1C02, s0  }
.LBB2_1:
0x13: {  	s0 =	simm.s32 @p0 $0x1FC2  }
0x14: {  	[spmem:s14], [sflag:s0] =	dma.local @p0 [hbm:s8], $0x1900  }
0x15: {  	s0 =	simm.s32 @p0 $0x2  }
0x16: {  	_ =	swait.ge @p0 [sflag:s0], $0x1900  }
0x17: {  	[sflag:s0] =	ssyncset.done @p0 $0x0  }
0x18: {  	[sflag:s0] =	ssyncadd.s32 @p0 $0xFFFFE700;
	s0 =	simm.s32 @!p0 $0x2  }
0x19: {  	[spmem:s16], [sflag:s15] =	dma.local @!p0 [hbm:s8], $0x2800  }
0x1a: {  	_ =	swait.ge @!p0 [sflag:s0], $0x2800  }
0x1b: {  	[sflag:s0] =	ssyncset.done @!p0 $0x0  }
0x1c: {  	[sflag:s0] =	ssyncadd.s32 @!p0 $0xFFFFD800  }
0x1d: {  	s24 =	simm.s32 $0x0;
	[bflag:$0x0] =	sbarrier.arrive $0xFFFF  }
.LBB2_2:
0x1e: {  	s0 =	sshll.u32 s24, $0xC  }
0x1f: {  	s0 =	sadd.s32 s9, s0  }
0x20: {  	s0 =	sshrl.u32 s0, $0x3  }
0x21: {  	s25 =	simm.s32 $0x0;
	s26 =	sadd.s32 s1, s0  }
0x22: {  	[tilespmem:s25], [sflag:$0x2] =	stream.linear.gather [hbm4b:s26+s25], $0xC80, $0x38;
	[tilespmem:$0x1A880] =	vst v63  }
0x23: {  	_ =	swait.ge [sflag:s17], $0xC80  }
0x24: {  	[sflag:s17] =	ssyncset.done $0x0  }
0x25: {  	s0 =	sadd.s32 s6, s0;
	[sflag:s17] =	ssyncadd.s32 $0xFFFFF380  }
0x26: {  	[tilespmem:s18], [sflag:$0x2] =	stream.linear.gather [hbm4b:s0+s25], $0xC80, $0x38;
	[tilespmem:$0x1A880] =	vst v63  }
0x27: {  	s31 =	smul.u32 $0x7D0, s24;
	_ =	swait.ge [sflag:s17], $0xC80  }
0x28: {  	[sflag:s17] =	ssyncset.done $0x0  }
0x29: {  	s26 =	sadd.s32 s10, s31;
	[sflag:s17] =	ssyncadd.s32 $0xFFFFF380  }
.LBB2_3:
0x2a: {  	s28 =	sshll.u32 s25, $0x7;
	s0 =	smul.u32 $0x50, s25  }
0x2b: {  	[tilespmem:s20], [sflag:$0x1] =	stream.indirect.gather [hbm4b:s2+s19], $0x80, s28, s19, $0xb8;
	[tilespmem:$0x1A880] =	vst v63  }
0x2c: {  	s0 =	sadd.s32 s0, s26  }
0x2d: {  	s0 =	sshll.u32 s0, $0x4  }
0x2e: {  	s0 =	sadd.s32 s7, s0  }
0x2f: {  	[tilespmem:s21], [sflag:$0x2] =	stream.linear.gather [hbm4b:s0+s4], $0x2800, $0x38;
	[tilespmem:$0x1A880] =	vst v63  }
0x30: {  	_ =	swait.ge [sflag:s17], $0x2800  }
0x31: {  	[sflag:s17] =	ssyncset.done $0x0  }
0x32: {  	[sflag:s17] =	ssyncadd.s32 $0xFFFFD800  }
0x33: {  	_ =	swait.ge [sflag:s22], $0x2800  }
0x34: {  	[sflag:s22] =	ssyncset.done $0x0  }
0x35: {  	s29 =	simm.s32 $0x2100;
	[sflag:s22] =	ssyncadd.s32 $0xFFFFD800  }
0x36: {  	s30 =	simm.s32 $0x4900;
	v0 =	vld [tilespmem:s29+$0x80]  }
0x37: {  	v1 =	vld [tilespmem:s30+$0x80]  }
0x38: {  	v2 =	vld [tilespmem:s29+$0xFFFFFF80]  }
0x39: {  	v3 =	vld [tilespmem:s30+$0xFFFFFF80]  }
0x3a: {  	v4 =	vld [tilespmem:s29+$0x0]  }
0x3b: {  	v5 =	vld [tilespmem:s30+$0x0]  }
0x3c: {  	v6 =	vld [tilespmem:s29+$0xFFFFFF00];
	v0 =	vmul.f32 v1, v0  }
0x3d: {  	v1 =	vld [tilespmem:s30+$0xFFFFFF00]  }
0x3e: {  	[tilespmem:s29+$0x80] =	vst v0;
	v0 =	vld [tilespmem:s29+$0x90]  }
0x3f: {  	v2 =	vmul.f32 v3, v2;
	v3 =	vld [tilespmem:s30+$0x90]  }
0x40: {  	v7 =	vld [tilespmem:s29+$0xFFFFFF10]  }
0x41: {  	[tilespmem:s29+$0xFFFFFF80] =	vst v2;
	v2 =	vmul.f32 v5, v4;
	v4 =	vld [tilespmem:s29+$0xFFFFFF90]  }
0x42: {  	v5 =	vld [tilespmem:s30+$0xFFFFFF90];
	v1 =	vmul.f32 v1, v6  }
0x43: {  	[tilespmem:s29+$0x0] =	vst v2;
	v2 =	vld [tilespmem:s29+$0x10]  }
0x44: {  	v6 =	vld [tilespmem:s30+$0x10];
	[tilespmem:s29+$0xFFFFFF00] =	vst v1;
	v0 =	vmul.f32 v3, v0  }
0x45: {  	v1 =	vld [tilespmem:s30+$0xFFFFFF10]  }
0x46: {  	[tilespmem:s29+$0x90] =	vst v0;
	v0 =	vld [tilespmem:s29+$0xA0]  }
0x47: {  	v3 =	vmul.f32 v5, v4;
	v4 =	vld [tilespmem:s30+$0xA0]  }
0x48: {  	v5 =	vld [tilespmem:s29+$0xFFFFFF20]  }
0x49: {  	[tilespmem:s29+$0xFFFFFF90] =	vst v3;
	v2 =	vmul.f32 v6, v2;
	v3 =	vld [tilespmem:s29+$0xFFFFFFA0]  }
0x4a: {  	v6 =	vld [tilespmem:s30+$0xFFFFFFA0];
	v1 =	vmul.f32 v1, v7  }
0x4b: {  	[tilespmem:s29+$0x10] =	vst v2;
	v2 =	vld [tilespmem:s29+$0x20]  }
0x4c: {  	v7 =	vld [tilespmem:s30+$0x20];
	[tilespmem:s29+$0xFFFFFF10] =	vst v1;
	v0 =	vmul.f32 v4, v0  }
0x4d: {  	v1 =	vld [tilespmem:s30+$0xFFFFFF20]  }
0x4e: {  	[tilespmem:s29+$0xA0] =	vst v0;
	v0 =	vld [tilespmem:s29+$0xB0]  }
0x4f: {  	v3 =	vmul.f32 v6, v3;
	v4 =	vld [tilespmem:s30+$0xB0]  }
0x50: {  	v6 =	vld [tilespmem:s29+$0xFFFFFF30]  }
0x51: {  	[tilespmem:s29+$0xFFFFFFA0] =	vst v3;
	v2 =	vmul.f32 v7, v2;
	v3 =	vld [tilespmem:s29+$0xFFFFFFB0]  }
0x52: {  	v7 =	vld [tilespmem:s30+$0xFFFFFFB0];
	v1 =	vmul.f32 v1, v5  }
0x53: {  	[tilespmem:s29+$0x20] =	vst v2;
	v2 =	vld [tilespmem:s29+$0x30]  }
0x54: {  	v5 =	vld [tilespmem:s30+$0x30];
	[tilespmem:s29+$0xFFFFFF20] =	vst v1;
	v0 =	vmul.f32 v4, v0  }
0x55: {  	v1 =	vld [tilespmem:s30+$0xFFFFFF30]  }
0x56: {  	[tilespmem:s29+$0xB0] =	vst v0;
	v0 =	vld [tilespmem:s29+$0xC0]  }
0x57: {  	v3 =	vmul.f32 v7, v3;
	v4 =	vld [tilespmem:s30+$0xC0]  }
0x58: {  	v7 =	vld [tilespmem:s29+$0xFFFFFF40]  }
0x59: {  	[tilespmem:s29+$0xFFFFFFB0] =	vst v3;
	v2 =	vmul.f32 v5, v2;
	v3 =	vld [tilespmem:s29+$0xFFFFFFC0]  }
0x5a: {  	v5 =	vld [tilespmem:s30+$0xFFFFFFC0];
	v1 =	vmul.f32 v1, v6  }
0x5b: {  	[tilespmem:s29+$0x30] =	vst v2;
	v2 =	vld [tilespmem:s29+$0x40]  }
0x5c: {  	v6 =	vld [tilespmem:s30+$0x40];
	[tilespmem:s29+$0xFFFFFF30] =	vst v1;
	v0 =	vmul.f32 v4, v0  }
0x5d: {  	v1 =	vld [tilespmem:s30+$0xFFFFFF40]  }
0x5e: {  	[tilespmem:s29+$0xC0] =	vst v0;
	v0 =	vld [tilespmem:s29+$0xD0]  }
0x5f: {  	v3 =	vmul.f32 v5, v3;
	v4 =	vld [tilespmem:s30+$0xD0]  }
0x60: {  	v5 =	vld [tilespmem:s29+$0xFFFFFF50]  }
0x61: {  	[tilespmem:s29+$0xFFFFFFC0] =	vst v3;
	v2 =	vmul.f32 v6, v2;
	v3 =	vld [tilespmem:s29+$0xFFFFFFD0]  }
0x62: {  	v6 =	vld [tilespmem:s30+$0xFFFFFFD0];
	v1 =	vmul.f32 v1, v7  }
0x63: {  	[tilespmem:s29+$0x40] =	vst v2;
	v2 =	vld [tilespmem:s29+$0x50]  }
0x64: {  	v7 =	vld [tilespmem:s30+$0x50];
	[tilespmem:s29+$0xFFFFFF40] =	vst v1;
	v0 =	vmul.f32 v4, v0  }
0x65: {  	v1 =	vld [tilespmem:s30+$0xFFFFFF50]  }
0x66: {  	[tilespmem:s29+$0xD0] =	vst v0;
	v0 =	vld [tilespmem:s29+$0xE0]  }
0x67: {  	v3 =	vmul.f32 v6, v3;
	v4 =	vld [tilespmem:s30+$0xE0]  }
0x68: {  	v6 =	vld [tilespmem:s29+$0xFFFFFF60]  }
0x69: {  	[tilespmem:s29+$0xFFFFFFD0] =	vst v3;
	v2 =	vmul.f32 v7, v2;
	v3 =	vld [tilespmem:s29+$0xFFFFFFE0]  }
0x6a: {  	v7 =	vld [tilespmem:s30+$0xFFFFFFE0];
	v1 =	vmul.f32 v1, v5  }
0x6b: {  	[tilespmem:s29+$0x50] =	vst v2;
	v2 =	vld [tilespmem:s29+$0x60]  }
0x6c: {  	v5 =	vld [tilespmem:s30+$0x60];
	[tilespmem:s29+$0xFFFFFF50] =	vst v1;
	v0 =	vmul.f32 v4, v0  }
0x6d: {  	v4 =	vld [tilespmem:s30+$0xFFFFFF60]  }
0x6e: {  	v8 =	vld [tilespmem:s29+$0xF0];
	[tilespmem:s29+$0xE0] =	vst v0  }
0x6f: {  	v1 =	vmul.f32 v7, v3;
	v7 =	vld [tilespmem:s30+$0xF0]  }
0x70: {  	v0 =	vld [tilespmem:s29+$0xFFFFFF70]  }
0x71: {  	[tilespmem:s29+$0xFFFFFFE0] =	vst v1;
	v2 =	vmul.f32 v5, v2;
	v1 =	vld [tilespmem:s29+$0xFFFFFFF0]  }
0x72: {  	v3 =	vld [tilespmem:s30+$0xFFFFFFF0];
	v4 =	vmul.f32 v4, v6  }
0x73: {  	[tilespmem:s29+$0x60] =	vst v2;
	v2 =	vld [tilespmem:s29+$0x70]  }
0x74: {  	[tilespmem:s29+$0xFFFFFF60] =	vst v4;
	v4 =	vld [tilespmem:s30+$0x70];
	v6 =	vmul.f32 v7, v8  }
0x75: {  	s31 =	simm.s32 $0x0;
	s0 =	simm.s32 $0x2300;
	v5 =	vld [tilespmem:s30+$0xFFFFFF70]  }
.LBB2_4:
0x76: {  	v7 =	vld [tilespmem:s0+$0x80];
	[tilespmem:s29+$0xF0] =	vst v6;
	s30 =	sadd.s32 $0x200, s30  }
0x77: {  	s31 =	sadd.s32 $0x4, s31;
	v6 =	vld [tilespmem:s30+$0x80];
	v1 =	vmul.f32 v3, v1  }
0x78: {  	p1 =	slt.u32 s31, $0x4C;
	v3 =	vld [tilespmem:s30+$0xFFFFFF00]  }
0x79: {  	v8 =	vld [tilespmem:s0+$0xFFFFFF80];
	[tilespmem:s29+$0xFFFFFFF0] =	vst v1;
	v1 =	vmul.f32 v4, v2  }
0x7a: {  	v2 =	vld [tilespmem:s30+$0xFFFFFF80];
	v0 =	vmul.f32 v5, v0  }
0x7b: {  	v4 =	vld [tilespmem:s0+$0x0];
	[tilespmem:s29+$0x70] =	vst v1  }
0x7c: {  	v1 =	vld [tilespmem:s30+$0x0];
	v5 =	vmul.f32 v6, v7;
	[tilespmem:s29+$0xFFFFFF70] =	vst v0;
	s29 =	smov.u32 s0  }
0x7d: {  	v0 =	vld [tilespmem:s0+$0xFFFFFF00]  }
0x7e: {  	[tilespmem:s0+$0x80] =	vst v5;
	v5 =	vld [tilespmem:s0+$0x90]  }
0x7f: {  	v2 =	vmul.f32 v2, v8;
	v6 =	vld [tilespmem:s30+$0x90]  }
0x80: {  	v7 =	vld [tilespmem:s0+$0xFFFFFF10]  }
0x81: {  	[tilespmem:s0+$0xFFFFFF80] =	vst v2;
	v2 =	vld [tilespmem:s0+$0xFFFFFF90];
	v1 =	vmul.f32 v1, v4  }
0x82: {  	v0 =	vmul.f32 v3, v0;
	v3 =	vld [tilespmem:s30+$0xFFFFFF90]  }
0x83: {  	[tilespmem:s0+$0x0] =	vst v1;
	v1 =	vld [tilespmem:s0+$0x10]  }
0x84: {  	[tilespmem:s0+$0xFFFFFF00] =	vst v0;
	v0 =	vld [tilespmem:s30+$0x10];
	v4 =	vmul.f32 v6, v5  }
0x85: {  	v5 =	vld [tilespmem:s30+$0xFFFFFF10]  }
0x86: {  	[tilespmem:s0+$0x90] =	vst v4;
	v4 =	vld [tilespmem:s0+$0xA0]  }
0x87: {  	v2 =	vmul.f32 v3, v2;
	v3 =	vld [tilespmem:s30+$0xA0]  }
0x88: {  	v6 =	vld [tilespmem:s0+$0xFFFFFF20]  }
0x89: {  	[tilespmem:s0+$0xFFFFFF90] =	vst v2;
	v2 =	vld [tilespmem:s0+$0xFFFFFFA0];
	v0 =	vmul.f32 v0, v1  }
0x8a: {  	v1 =	vmul.f32 v5, v7;
	v5 =	vld [tilespmem:s30+$0xFFFFFFA0]  }
0x8b: {  	[tilespmem:s0+$0x10] =	vst v0;
	v0 =	vld [tilespmem:s0+$0x20]  }
0x8c: {  	[tilespmem:s0+$0xFFFFFF10] =	vst v1;
	v1 =	vld [tilespmem:s30+$0x20];
	v3 =	vmul.f32 v3, v4  }
0x8d: {  	v4 =	vld [tilespmem:s30+$0xFFFFFF20]  }
0x8e: {  	[tilespmem:s0+$0xA0] =	vst v3;
	v3 =	vld [tilespmem:s0+$0xB0]  }
0x8f: {  	v2 =	vmul.f32 v5, v2;
	v5 =	vld [tilespmem:s30+$0xB0]  }
0x90: {  	v7 =	vld [tilespmem:s0+$0xFFFFFF30]  }
0x91: {  	[tilespmem:s0+$0xFFFFFFA0] =	vst v2;
	v2 =	vld [tilespmem:s0+$0xFFFFFFB0];
	v0 =	vmul.f32 v1, v0  }
0x92: {  	v1 =	vmul.f32 v4, v6;
	v4 =	vld [tilespmem:s30+$0xFFFFFFB0]  }
0x93: {  	[tilespmem:s0+$0x20] =	vst v0;
	v0 =	vld [tilespmem:s0+$0x30]  }
0x94: {  	[tilespmem:s0+$0xFFFFFF20] =	vst v1;
	v1 =	vld [tilespmem:s30+$0x30];
	v3 =	vmul.f32 v5, v3  }
0x95: {  	v5 =	vld [tilespmem:s30+$0xFFFFFF30]  }
0x96: {  	[tilespmem:s0+$0xB0] =	vst v3;
	v3 =	vld [tilespmem:s0+$0xC0]  }
0x97: {  	v2 =	vmul.f32 v4, v2;
	v4 =	vld [tilespmem:s30+$0xC0]  }
0x98: {  	v6 =	vld [tilespmem:s0+$0xFFFFFF40]  }
0x99: {  	[tilespmem:s0+$0xFFFFFFB0] =	vst v2;
	v2 =	vld [tilespmem:s0+$0xFFFFFFC0];
	v0 =	vmul.f32 v1, v0  }
0x9a: {  	v1 =	vmul.f32 v5, v7;
	v5 =	vld [tilespmem:s30+$0xFFFFFFC0]  }
0x9b: {  	[tilespmem:s0+$0x30] =	vst v0;
	v0 =	vld [tilespmem:s0+$0x40]  }
0x9c: {  	[tilespmem:s0+$0xFFFFFF30] =	vst v1;
	v1 =	vld [tilespmem:s30+$0x40];
	v3 =	vmul.f32 v4, v3  }
0x9d: {  	v4 =	vld [tilespmem:s30+$0xFFFFFF40]  }
0x9e: {  	[tilespmem:s0+$0xC0] =	vst v3;
	v3 =	vld [tilespmem:s0+$0xD0]  }
0x9f: {  	v2 =	vmul.f32 v5, v2;
	v5 =	vld [tilespmem:s30+$0xD0]  }
0xa0: {  	v7 =	vld [tilespmem:s0+$0xFFFFFF50]  }
0xa1: {  	[tilespmem:s0+$0xFFFFFFC0] =	vst v2;
	v2 =	vld [tilespmem:s0+$0xFFFFFFD0];
	v0 =	vmul.f32 v1, v0  }
0xa2: {  	v1 =	vmul.f32 v4, v6;
	v4 =	vld [tilespmem:s30+$0xFFFFFFD0]  }
0xa3: {  	[tilespmem:s0+$0x40] =	vst v0;
	v0 =	vld [tilespmem:s0+$0x50]  }
0xa4: {  	[tilespmem:s0+$0xFFFFFF40] =	vst v1;
	v1 =	vld [tilespmem:s30+$0x50];
	v3 =	vmul.f32 v5, v3  }
0xa5: {  	v5 =	vld [tilespmem:s30+$0xFFFFFF50]  }
0xa6: {  	[tilespmem:s0+$0xD0] =	vst v3;
	v3 =	vld [tilespmem:s0+$0xE0]  }
0xa7: {  	v2 =	vmul.f32 v4, v2;
	v4 =	vld [tilespmem:s30+$0xE0]  }
0xa8: {  	v6 =	vld [tilespmem:s0+$0xFFFFFF60]  }
0xa9: {  	[tilespmem:s0+$0xFFFFFFD0] =	vst v2;
	v2 =	vld [tilespmem:s0+$0xFFFFFFE0];
	v0 =	vmul.f32 v1, v0  }
0xaa: {  	v1 =	vmul.f32 v5, v7;
	v5 =	vld [tilespmem:s30+$0xFFFFFFE0]  }
0xab: {  	[tilespmem:s0+$0x50] =	vst v0;
	v7 =	vld [tilespmem:s0+$0x60]  }
0xac: {  	[tilespmem:s0+$0xFFFFFF50] =	vst v1;
	v8 =	vld [tilespmem:s30+$0x60];
	v0 =	vmul.f32 v4, v3  }
0xad: {  	v3 =	vld [tilespmem:s30+$0xFFFFFF60]  }
0xae: {  	[tilespmem:s0+$0xE0] =	vst v0;
	v9 =	vld [tilespmem:s0+$0xF0]  }
0xaf: {  	v1 =	vmul.f32 v5, v2;
	v5 =	vld [tilespmem:s30+$0xF0]  }
0xb0: {  	v0 =	vld [tilespmem:s0+$0xFFFFFF70]  }
.Ltmp0:
0xb1: {  	[tilespmem:s0+$0xFFFFFFE0] =	vst v1;
	v1 =	vld [tilespmem:s0+$0xFFFFFFF0];
	v2 =	vmul.f32 v8, v7;
	(pc) =	sbr.rel @p1 .LBB2_4-.Ltmp0, $4  }
0xb2: {  	v4 =	vmul.f32 v3, v6;
	v3 =	vld [tilespmem:s30+$0xFFFFFFF0]  }
0xb3: {  	[tilespmem:s0+$0x60] =	vst v2;
	v2 =	vld [tilespmem:s0+$0x70]  }
0xb4: {  	[tilespmem:s0+$0xFFFFFF60] =	vst v4;
	v4 =	vld [tilespmem:s30+$0x70];
	v6 =	vmul.f32 v5, v9  }
0xb5: {  	s0 =	sadd.s32 $0x200, s0;
	v5 =	vld [tilespmem:s30+$0xFFFFFF70]  }
0xb6: {  	_ =	sdelay $0x1  }
0xb7: {  	v1 =	vmul.f32 v3, v1  }
0xb8: {  	[tilespmem:s29+$0xF0] =	vst v6;
	v2 =	vmul.f32 v4, v2  }
0xb9: {  	s25 =	sadd.s32 $0x1, s25;
	[tilespmem:s29+$0xFFFFFFF0] =	vst v1;
	v0 =	vmul.f32 v5, v0  }
0xba: {  	p1 =	sne.s32 s25, $0x19;
	[tilespmem:s29+$0x70] =	vst v2  }
.Ltmp1:
0xbb: {  	s0 =	sadd.s32 $0x1000, s28;
	[tilespmem:s29+$0xFFFFFF70] =	vst v0;
	(pc) =	sbr.rel @p1 .LBB2_3-.Ltmp1, $4  }
0xbc: {  	[spmem:s3] =	stream.indirect.scatter.add.f32 [tilespmem:s20], [sflag:$0x2], $0x80, s0, s19, $0xb8;
	[tilespmem:$0x1A880] =	vst v63  }
0xbd: {  	_ =	swait.ge [sflag:s17], $0x2800  }
0xbe: {  	[sflag:s17] =	ssyncset.done $0x0  }
0xbf: {  	[sflag:s17] =	ssyncadd.s32 $0xFFFFD800  }
0xc0: {  	s24 =	sadd.s32 $0x1, s24  }
0xc1: {  	p1 =	sne.s32 s24, $0x5  }
.Ltmp2:
0xc2: {  	_ = 	snop;
	(pc) =	sbr.rel @p1 .LBB2_2-.Ltmp2, $1  }
0xc3: {  	_ =	sdelay $0x3  }
0xc4: {  	[bflag:$0x0] =	sbarrier.arrive $0xFFFF;
	s0 =	simm.s32 @p0 $0x1FC2  }
0xc5: {  	[hbm:s12], [sflag:s0] =	dma.local @p0 [spmem:s14], $0x1900  }
0xc6: {  	s0 =	simm.s32 @p0 $0x2  }
0xc7: {  	s23 =	sadd.s32 $0x1, s23;
	_ =	swait.ge @p0 [sflag:s0], $0x1900  }
0xc8: {  	p1 =	sne.s32 s23, s13;
	[sflag:s0] =	ssyncset.done @p0 $0x0  }
.Ltmp3:
0xc9: {  	[sflag:s0] =	ssyncadd.s32 @p0 $0xFFFFE700;
	s0 =	simm.s32 @!p0 $0x2;
	(pc) =	sbr.rel @p1 .LBB2_1-.Ltmp3, $4  }
0xca: {  	[hbm:s11], [sflag:s15] =	dma.local @!p0 [spmem:s16], $0x2800  }
0xcb: {  	_ =	swait.ge @!p0 [sflag:s0], $0x2800  }
0xcc: {  	[sflag:s0] =	ssyncset.done @!p0 $0x0  }
0xcd: {  	[sflag:s0] =	ssyncadd.s32 @!p0 $0xFFFFD800  }
0xce: {  	_ =	sfence.sel $0x180000  }
0xcf: {  	[bflag:$0x0] =	sbarrier.arrive $0xFFFF  }
0xd0: {  	_ =	strace $0x90000047  }
0xd1: {  	[bflag:$0x2] =	sbarrier.arrive $0xFFFF  }
0xd2: {  	p0 =	sne.s32 s5, $0x0;
	s0 =	rddreg [dreg:$0x4]  }
0xd3: {  	s0 =	sadd.s32 @!p0 $0x100000, s0  }
0xd4: {  	[sflag:s0] =	ssyncadd.tile.s32 @!p0 $0x1;
	_ =	shalt  }
.Lfunc_end2:
_tile_overlayer_lowered:
.L_overlay_start_2:
0xd5: {  	(tag) =	ssettag $0x2  }
0xd6: {  	s0 =	rddreg [dreg:$0x0];
	s2 =	stileid.u32  }
0xd7: {  	s1 =	rddreg [dreg:$0x1];
	p0 =	sne.s32 s2, $0x0  }
0xd8: {  	s3 =	rddreg [dreg:$0x2];
	[bflag:$0x3] =	sbarrier.arrive $0xFFFF;
	s2 =	simm.s32 @!p0 $0x1C02  }
0xd9: {  	[timem:s3], [sflag:s2] =	dma.local @!p0 [hbm:s0], s1  }
0xda: {  	s0 =	simm.s32 @!p0 $0x2  }
0xdb: {  	_ =	swait.ge @!p0 [sflag:s0], s1  }
0xdc: {  	s1 =	ssub.s32 @!p0 $0x0, s1;
	[sflag:s0] =	ssyncset.done @!p0 $0x0  }
0xdd: {  	[sflag:s0] =	ssyncadd.s32 @!p0 s1  }
0xde: {  	[bflag:$0x3] =	sbarrier.arrive $0xFFFF  }
0xdf: {  	_ =	shalt  }

</sc_bundles>
